<compile_context>
chip_gen: v7x
topology: tpu7x:2x2x1
jax: 0.10.2.dev20260603
libtpu: 0.0.44.dev20260713+nightly
codegen_flags: <defaults>
</compile_context>

<pallas_src>
import functools

import jax
import jax.numpy as jnp
from jax import lax
from jax.experimental import pallas as pl
from jax.experimental.pallas import tpu as pltpu
from jax.experimental.pallas import tpu_sc as plsc

_B = 16384
_DX = 2213
_NRATE = 6
_NYEAR = 81
_EMB = 32
_BB = 1024
_NCHUNK = 4
_CW = 640

_NC = 2
_NS = 16
_NW = _NC * _NS
_BPW = _B // _NW


def _tc_body(*refs):
    x_refs = refs[:_NCHUNK]
    w_refs = refs[_NCHUNK:2 * _NCHUNK]
    proj_ref, idxr_ref, idxy_ref = refs[2 * _NCHUNK:]

    pre = jnp.zeros((_BB, 2 * _EMB), jnp.float32)
    for xr, wr in zip(x_refs, w_refs):
        xf = xr[...].astype(jnp.bfloat16)
        pre = pre + jnp.dot(xf, wr[...], preferred_element_type=jnp.float32)
    proj = jax.nn.sigmoid(pre)
    proj_ref[...] = jnp.concatenate(
        [jnp.zeros((_BB, 2 * _EMB), jnp.float32), proj], axis=1)

    x01 = x_refs[0][...]
    idxr_ref[...] = x01[:, 0]
    idxy_ref[...] = x01[:, 1]


def _tc_build(interpret=False):
    x_specs = [
        pl.BlockSpec((_BB, _CW), functools.partial(lambda j, i: (i, j), j))
        for j in range(_NCHUNK)
    ]
    w_specs = [pl.BlockSpec((_CW, 2 * _EMB), lambda i: (0, 0)) for _ in range(_NCHUNK)]
    return pl.pallas_call(
        _tc_body,
        grid=(_B // _BB,),
        in_specs=x_specs + w_specs,
        out_specs=[
            pl.BlockSpec((_BB, 4 * _EMB), lambda i: (i, 0)),
            pl.BlockSpec((_BB,), lambda i: (i,)),
            pl.BlockSpec((_BB,), lambda i: (i,)),
        ],
        out_shape=[
            jax.ShapeDtypeStruct((_B, 4 * _EMB), jnp.float32),
            jax.ShapeDtypeStruct((_B,), jnp.int32),
            jax.ShapeDtypeStruct((_B,), jnp.int32),
        ],
        interpret=interpret,
    )


_ROWW = 4 * _EMB


def _sc_body(idxr_hbm, idxy_hbm, rate_hbm, year_hbm, proj_hbm, out_hbm,
             ridx_v, yidx_v, rate_v, year_v, rows_v):
    wid = lax.axis_index("s") * _NC + lax.axis_index("c")
    base = wid * _BPW
    pltpu.sync_copy(idxr_hbm.at[pl.ds(base, _BPW)], ridx_v)
    pltpu.sync_copy(idxy_hbm.at[pl.ds(base, _BPW)], yidx_v)
    pltpu.sync_copy(rate_hbm, rate_v)
    pltpu.sync_copy(year_hbm, year_v)
    pltpu.sync_copy(proj_hbm.at[pl.ds(base * _ROWW, _BPW * _ROWW)], rows_v)

    def group(g, carry):
        rowoff = (lax.iota(jnp.int32, 16) + g * 16) * _ROWW
        ribase = ridx_v[pl.ds(g * 16, 16)] * _ROWW
        yibase = yidx_v[pl.ds(g * 16, 16)] * _ROWW
        for c in range(_EMB):
            rv = plsc.load_gather(rate_v, [ribase + c])
            plsc.store_scatter(rows_v, [rowoff + c], rv)
            yv = plsc.load_gather(year_v, [yibase + c])
            plsc.store_scatter(rows_v, [rowoff + (_EMB + c)], yv)
        return carry

    lax.fori_loop(0, _BPW // 16, group, 0)
    pltpu.sync_copy(rows_v, out_hbm.at[pl.ds(base * _ROWW, _BPW * _ROWW)])


def _sc_build():
    mesh = plsc.VectorSubcoreMesh(core_axis_name="c", subcore_axis_name="s")
    return pl.kernel(
        _sc_body,
        out_type=jax.ShapeDtypeStruct((_B * _ROWW,), jnp.float32),
        mesh=mesh,
        compiler_params=pltpu.CompilerParams(needs_layout_passes=False),
        scratch_types=[
            pltpu.VMEM((_BPW,), jnp.int32),
            pltpu.VMEM((_BPW,), jnp.int32),
            pltpu.VMEM((8 * _ROWW,), jnp.float32),
            pltpu.VMEM((88 * _ROWW,), jnp.float32),
            pltpu.VMEM((_BPW * _ROWW,), jnp.float32),
        ],
    )


def kernel(x, rate_table, year_table, W_genre, W_director):
    wbig = jnp.zeros((_NCHUNK * _CW, 2 * _EMB), jnp.float32)
    wbig = wbig.at[2:27, 0:_EMB].set(W_genre.T)
    wbig = wbig.at[27:_DX, _EMB:].set(W_director.T)
    wbig = wbig.astype(jnp.bfloat16)
    wchunks = [wbig[j * _CW:(j + 1) * _CW] for j in range(_NCHUNK)]
    proj, idxr, idxy = _tc_build()(*([x] * _NCHUNK), *wchunks)
    proj1 = proj.reshape(_B * _ROWW)
    rate_pad = jnp.zeros((8, _ROWW), jnp.float32).at[:_NRATE, :_EMB].set(rate_table)
    year_pad = jnp.zeros((88, _ROWW), jnp.float32).at[:_NYEAR, :_EMB].set(year_table)
    out1 = _sc_build()(idxr, idxy, rate_pad.reshape(-1), year_pad.reshape(-1), proj1)
    return out1.reshape(_B, 4 * _EMB)

# --- scband reference (transcript-rebuilt; emitter-appended) ---
"""Pipeline reference for scband-ml-item-28999619183238 (READ-ONLY COPY).

The authoritative reference and input builder live on the scoring server;
editing this copy changes nothing except your own understanding.
"""

import jax, jax.numpy as jnp
import numpy as np

B = 16384
NUM_RATE = 6
NUM_GENRE = 25
NUM_DIRECTOR = 2186
NUM_YEAR = 81
EMB = 32


def setup_inputs(seed: int = 0) -> dict:
    key = jax.random.key(seed)
    k1, k2, k3, k4, k5 = jax.random.split(key, 5)
    x = jax.random.randint(k1, (B, 27 + NUM_DIRECTOR), 0, 6, dtype=jnp.int64 if jax.config.read('jax_enable_x64') else jnp.int32)
    rate_table = jax.random.normal(k2, (NUM_RATE, EMB), dtype=jnp.float32)
    year_table = jax.random.normal(k3, (NUM_YEAR, EMB), dtype=jnp.float32)
    W_genre = jax.random.normal(k4, (EMB, NUM_GENRE), dtype=jnp.float32) * (1.0 / np.sqrt(NUM_GENRE))
    W_director = jax.random.normal(k5, (EMB, NUM_DIRECTOR), dtype=jnp.float32) * (1.0 / np.sqrt(NUM_DIRECTOR))
    return {"x": x, "rate_table": rate_table, "year_table": year_table, "W_genre": W_genre, "W_director": W_director}


def reference(x, rate_table, year_table, W_genre, W_director):
    rate_idx = x[:, 0]
    year_idx = x[:, 1]
    genre_idx = x[:, 2:27]
    director_idx = x[:, 27:]
    rate_emb = jnp.take(rate_table, rate_idx, axis=0)
    year_emb = jnp.take(year_table, year_idx, axis=0)
    genre_emb = jax.nn.sigmoid(genre_idx.astype(jnp.float32) @ W_genre.T)
    director_emb = jax.nn.sigmoid(director_idx.astype(jnp.float32) @ W_director.T)
    concat_emb = jnp.concatenate((rate_emb, year_emb, genre_emb, director_emb), axis=1)
    return concat_emb

if __name__ == "__main__":
    import jax
    _d = setup_inputs()
    print(jax.jit(kernel)(*tuple(_d.values())))

</pallas_src>

<mosaic_0001>
#map = affine_map<(d0, d1) -> (0)>
module attributes {stable_mosaic.version = 14 : i64} {
  func.func @_sc_body(%arg0: i32, %arg1: i32, %arg2: memref<16384xi32, #tpu.memory_space<hbm>>, %arg3: memref<16384xi32, #tpu.memory_space<hbm>>, %arg4: memref<1024xf32, #tpu.memory_space<hbm>>, %arg5: memref<11264xf32, #tpu.memory_space<hbm>>, %arg6: memref<2097152xf32, #tpu.memory_space<hbm>>, %arg7: memref<2097152xf32, #tpu.memory_space<hbm>>, %arg8: memref<512xi32, #tpu.memory_space<vmem>>, %arg9: memref<512xi32, #tpu.memory_space<vmem>>, %arg10: memref<1024xf32, #tpu.memory_space<vmem>>, %arg11: memref<11264xf32, #tpu.memory_space<vmem>>, %arg12: memref<65536xf32, #tpu.memory_space<vmem>>) attributes {dimension_semantics = [#tpu.dimension_semantics<core_parallel>, #tpu.dimension_semantics<subcore_parallel>], iteration_bounds = array<i64: 2, 16>, scalar_prefetch = 0 : i64, scratch_operands = 5 : i64, tpu.core_type = #tpu.core_type<sc_vector_subcore>, window_params = [{transform_indices = #map}, {transform_indices = #map}, {transform_indices = #map}, {transform_indices = #map}, {transform_indices = #map}, {transform_indices = #map}]} {
    %mul3A = arith.constant 2 : i32
    %mul3A_0 = arith.muli %arg1, %mul3A : i32
    %add3A = arith.addi %mul3A_0, %arg0 : i32
    %mul3A_1 = arith.constant 512 : i32
    %mul3A_2 = arith.muli %add3A, %mul3A_1 : i32
    "tpu.region"() ({
      %run_scoped3A = tpu.sem_alloc : memref<!tpu.dma_semaphore, #tpu.memory_space<semaphore_mem>>
      %dma_start3A = tpu.memref_slice %arg2[%mul3A_2] : memref<16384xi32, #tpu.memory_space<hbm>> -> memref<512xi32, #tpu.memory_space<hbm>>
      %dma_start3A_12 = tpu.memref_slice %arg2[%mul3A_2] : memref<16384xi32, #tpu.memory_space<hbm>> -> memref<512xi32, #tpu.memory_space<hbm>>
      tpu.enqueue_dma source(%dma_start3A_12 : memref<512xi32, #tpu.memory_space<hbm>>) target(%arg8 : memref<512xi32, #tpu.memory_space<vmem>>) target_semaphore(%run_scoped3A : memref<!tpu.dma_semaphore, #tpu.memory_space<semaphore_mem>>)
      %dma_wait3A = tpu.memref_slice %arg2[%mul3A_2] : memref<16384xi32, #tpu.memory_space<hbm>> -> memref<512xi32, #tpu.memory_space<hbm>>
      %dma_wait3A_13 = tpu.memref_slice %arg2[%mul3A_2] : memref<16384xi32, #tpu.memory_space<hbm>> -> memref<512xi32, #tpu.memory_space<hbm>>
      tpu.wait_dma2 semaphore(%run_scoped3A : memref<!tpu.dma_semaphore, #tpu.memory_space<semaphore_mem>>) src(%dma_wait3A_13 : memref<512xi32, #tpu.memory_space<hbm>>) dst(%arg8 : memref<512xi32, #tpu.memory_space<vmem>>)
      tpu.yield
    }) : () -> ()
    "tpu.region"() ({
      %run_scoped3A = tpu.sem_alloc : memref<!tpu.dma_semaphore, #tpu.memory_space<semaphore_mem>>
      %dma_start3A = tpu.memref_slice %arg3[%mul3A_2] : memref<16384xi32, #tpu.memory_space<hbm>> -> memref<512xi32, #tpu.memory_space<hbm>>
      %dma_start3A_12 = tpu.memref_slice %arg3[%mul3A_2] : memref<16384xi32, #tpu.memory_space<hbm>> -> memref<512xi32, #tpu.memory_space<hbm>>
      tpu.enqueue_dma source(%dma_start3A_12 : memref<512xi32, #tpu.memory_space<hbm>>) target(%arg9 : memref<512xi32, #tpu.memory_space<vmem>>) target_semaphore(%run_scoped3A : memref<!tpu.dma_semaphore, #tpu.memory_space<semaphore_mem>>)
      %dma_wait3A = tpu.memref_slice %arg3[%mul3A_2] : memref<16384xi32, #tpu.memory_space<hbm>> -> memref<512xi32, #tpu.memory_space<hbm>>
      %dma_wait3A_13 = tpu.memref_slice %arg3[%mul3A_2] : memref<16384xi32, #tpu.memory_space<hbm>> -> memref<512xi32, #tpu.memory_space<hbm>>
      tpu.wait_dma2 semaphore(%run_scoped3A : memref<!tpu.dma_semaphore, #tpu.memory_space<semaphore_mem>>) src(%dma_wait3A_13 : memref<512xi32, #tpu.memory_space<hbm>>) dst(%arg9 : memref<512xi32, #tpu.memory_space<vmem>>)
      tpu.yield
    }) : () -> ()
    "tpu.region"() ({
      %run_scoped3A = tpu.sem_alloc : memref<!tpu.dma_semaphore, #tpu.memory_space<semaphore_mem>>
      tpu.enqueue_dma source(%arg4 : memref<1024xf32, #tpu.memory_space<hbm>>) target(%arg10 : memref<1024xf32, #tpu.memory_space<vmem>>) target_semaphore(%run_scoped3A : memref<!tpu.dma_semaphore, #tpu.memory_space<semaphore_mem>>)
      tpu.wait_dma2 semaphore(%run_scoped3A : memref<!tpu.dma_semaphore, #tpu.memory_space<semaphore_mem>>) src(%arg4 : memref<1024xf32, #tpu.memory_space<hbm>>) dst(%arg10 : memref<1024xf32, #tpu.memory_space<vmem>>)
      tpu.yield
    }) : () -> ()
    "tpu.region"() ({
      %run_scoped3A = tpu.sem_alloc : memref<!tpu.dma_semaphore, #tpu.memory_space<semaphore_mem>>
      tpu.enqueue_dma source(%arg5 : memref<11264xf32, #tpu.memory_space<hbm>>) target(%arg11 : memref<11264xf32, #tpu.memory_space<vmem>>) target_semaphore(%run_scoped3A : memref<!tpu.dma_semaphore, #tpu.memory_space<semaphore_mem>>)
      tpu.wait_dma2 semaphore(%run_scoped3A : memref<!tpu.dma_semaphore, #tpu.memory_space<semaphore_mem>>) src(%arg5 : memref<11264xf32, #tpu.memory_space<hbm>>) dst(%arg11 : memref<11264xf32, #tpu.memory_space<vmem>>)
      tpu.yield
    }) : () -> ()
    %mul3A_3 = arith.constant 128 : i32
    %mul3A_4 = arith.muli %mul3A_2, %mul3A_3 : i32
    "tpu.region"() ({
      %run_scoped3A = tpu.sem_alloc : memref<!tpu.dma_semaphore, #tpu.memory_space<semaphore_mem>>
      %dma_start3A = tpu.memref_slice %arg6[%mul3A_4] : memref<2097152xf32, #tpu.memory_space<hbm>> -> memref<65536xf32, #tpu.memory_space<hbm>>
      %dma_start3A_12 = tpu.memref_slice %arg6[%mul3A_4] : memref<2097152xf32, #tpu.memory_space<hbm>> -> memref<65536xf32, #tpu.memory_space<hbm>>
      tpu.enqueue_dma source(%dma_start3A_12 : memref<65536xf32, #tpu.memory_space<hbm>>) target(%arg12 : memref<65536xf32, #tpu.memory_space<vmem>>) target_semaphore(%run_scoped3A : memref<!tpu.dma_semaphore, #tpu.memory_space<semaphore_mem>>)
      %dma_wait3A = tpu.memref_slice %arg6[%mul3A_4] : memref<2097152xf32, #tpu.memory_space<hbm>> -> memref<65536xf32, #tpu.memory_space<hbm>>
      %dma_wait3A_13 = tpu.memref_slice %arg6[%mul3A_4] : memref<2097152xf32, #tpu.memory_space<hbm>> -> memref<65536xf32, #tpu.memory_space<hbm>>
      tpu.wait_dma2 semaphore(%run_scoped3A : memref<!tpu.dma_semaphore, #tpu.memory_space<semaphore_mem>>) src(%dma_wait3A_13 : memref<65536xf32, #tpu.memory_space<hbm>>) dst(%arg12 : memref<65536xf32, #tpu.memory_space<vmem>>)
      tpu.yield
    }) : () -> ()
    %scan3A = arith.constant 0 : i32
    %scan3A_5 = arith.constant 0 : i32
    %scan3A_6 = arith.constant 32 : i32
    %scan3A_7 = arith.addi %scan3A_5, %scan3A_6 : i32
    %scan3A_8 = arith.constant 1 : i32
    scf.for %scan3A_12 = %scan3A_5 to %scan3A_7 step %scan3A_8  : i32 {
      %iota3A = tpu.iota {dimensions = array<i32: 0>} : vector<16xi32>
      %mul3A_13 = arith.constant 16 : i32
      %mul3A_14 = arith.muli %scan3A_12, %mul3A_13 : i32
      %add3A_15 = vector.broadcast %mul3A_14 : i32 to vector<16xi32>
      %add3A_16 = arith.addi %iota3A, %add3A_15 : vector<16xi32>
      %mul3A_17 = arith.constant 128 : i32
      %mul3A_18 = vector.broadcast %mul3A_17 : i32 to vector<16xi32>
      %mul3A_19 = arith.muli %add3A_16, %mul3A_18 : vector<16xi32>
      %mul3A_20 = arith.constant 16 : i32
      %mul3A_21 = arith.muli %scan3A_12, %mul3A_20 : i32
      %get3A = arith.index_cast %mul3A_21 : i32 to index
      %get3A_22 = tpu.vector_load %arg8[%get3A] {strides = array<i32>} : memref<512xi32, #tpu.memory_space<vmem>>, vector<16xi32>,
      %mul3A_23 = arith.constant 128 : i32
      %mul3A_24 = vector.broadcast %mul3A_23 : i32 to vector<16xi32>
      %mul3A_25 = arith.muli %get3A_22, %mul3A_24 : vector<16xi32>
      %mul3A_26 = arith.constant 16 : i32
      %mul3A_27 = arith.muli %scan3A_12, %mul3A_26 : i32
      %get3A_28 = arith.index_cast %mul3A_27 : i32 to index
      %get3A_29 = tpu.vector_load %arg9[%get3A_28] {strides = array<i32>} : memref<512xi32, #tpu.memory_space<vmem>>, vector<16xi32>,
      %mul3A_30 = arith.constant 128 : i32
      %mul3A_31 = vector.broadcast %mul3A_30 : i32 to vector<16xi32>
      %mul3A_32 = arith.muli %get3A_29, %mul3A_31 : vector<16xi32>
      %add3A_33 = arith.constant 0 : i32
      %add3A_34 = vector.broadcast %add3A_33 : i32 to vector<16xi32>
      %add3A_35 = arith.addi %mul3A_25, %add3A_34 : vector<16xi32>
      %gather3A = tpu.vector_load_idx %arg10[%add3A_35] : memref<1024xf32, #tpu.memory_space<vmem>>[vector<16xi32>], vector<16xf32>,
      %add3A_36 = arith.constant 0 : i32
      %add3A_37 = vector.broadcast %add3A_36 : i32 to vector<16xi32>
      %add3A_38 = arith.addi %mul3A_19, %add3A_37 : vector<16xi32>
      tpu.vector_store_idx %arg12[%add3A_38], %gather3A : memref<65536xf32, #tpu.memory_space<vmem>>[vector<16xi32>], vector<16xf32>,
      %add3A_39 = arith.constant 0 : i32
      %add3A_40 = vector.broadcast %add3A_39 : i32 to vector<16xi32>
      %add3A_41 = arith.addi %mul3A_32, %add3A_40 : vector<16xi32>
      %gather3A_42 = tpu.vector_load_idx %arg11[%add3A_41] : memref<11264xf32, #tpu.memory_space<vmem>>[vector<16xi32>], vector<16xf32>,
      %add3A_43 = arith.constant 32 : i32
      %add3A_44 = vector.broadcast %add3A_43 : i32 to vector<16xi32>
      %add3A_45 = arith.addi %mul3A_19, %add3A_44 : vector<16xi32>
      tpu.vector_store_idx %arg12[%add3A_45], %gather3A_42 : memref<65536xf32, #tpu.memory_space<vmem>>[vector<16xi32>], vector<16xf32>,
      %add3A_46 = arith.constant 1 : i32
      %add3A_47 = vector.broadcast %add3A_46 : i32 to vector<16xi32>
      %add3A_48 = arith.addi %mul3A_25, %add3A_47 : vector<16xi32>
      %gather3A_49 = tpu.vector_load_idx %arg10[%add3A_48] : memref<1024xf32, #tpu.memory_space<vmem>>[vector<16xi32>], vector<16xf32>,
      %add3A_50 = arith.constant 1 : i32
      %add3A_51 = vector.broadcast %add3A_50 : i32 to vector<16xi32>
      %add3A_52 = arith.addi %mul3A_19, %add3A_51 : vector<16xi32>
      tpu.vector_store_idx %arg12[%add3A_52], %gather3A_49 : memref<65536xf32, #tpu.memory_space<vmem>>[vector<16xi32>], vector<16xf32>,
      %add3A_53 = arith.constant 1 : i32
      %add3A_54 = vector.broadcast %add3A_53 : i32 to vector<16xi32>
      %add3A_55 = arith.addi %mul3A_32, %add3A_54 : vector<16xi32>
      %gather3A_56 = tpu.vector_load_idx %arg11[%add3A_55] : memref<11264xf32, #tpu.memory_space<vmem>>[vector<16xi32>], vector<16xf32>,
      %add3A_57 = arith.constant 33 : i32
      %add3A_58 = vector.broadcast %add3A_57 : i32 to vector<16xi32>
      %add3A_59 = arith.addi %mul3A_19, %add3A_58 : vector<16xi32>
      tpu.vector_store_idx %arg12[%add3A_59], %gather3A_56 : memref<65536xf32, #tpu.memory_space<vmem>>[vector<16xi32>], vector<16xf32>,
      %add3A_60 = arith.constant 2 : i32
      %add3A_61 = vector.broadcast %add3A_60 : i32 to vector<16xi32>
      %add3A_62 = arith.addi %mul3A_25, %add3A_61 : vector<16xi32>
      %gather3A_63 = tpu.vector_load_idx %arg10[%add3A_62] : memref<1024xf32, #tpu.memory_space<vmem>>[vector<16xi32>], vector<16xf32>,
      %add3A_64 = arith.constant 2 : i32
      %add3A_65 = vector.broadcast %add3A_64 : i32 to vector<16xi32>
      %add3A_66 = arith.addi %mul3A_19, %add3A_65 : vector<16xi32>
      tpu.vector_store_idx %arg12[%add3A_66], %gather3A_63 : memref<65536xf32, #tpu.memory_space<vmem>>[vector<16xi32>], vector<16xf32>,
      %add3A_67 = arith.constant 2 : i32
      %add3A_68 = vector.broadcast %add3A_67 : i32 to vector<16xi32>
      %add3A_69 = arith.addi %mul3A_32, %add3A_68 : vector<16xi32>
      %gather3A_70 = tpu.vector_load_idx %arg11[%add3A_69] : memref<11264xf32, #tpu.memory_space<vmem>>[vector<16xi32>], vector<16xf32>,
      %add3A_71 = arith.constant 34 : i32
      %add3A_72 = vector.broadcast %add3A_71 : i32 to vector<16xi32>
      %add3A_73 = arith.addi %mul3A_19, %add3A_72 : vector<16xi32>
      tpu.vector_store_idx %arg12[%add3A_73], %gather3A_70 : memref<65536xf32, #tpu.memory_space<vmem>>[vector<16xi32>], vector<16xf32>,
      %add3A_74 = arith.constant 3 : i32
      %add3A_75 = vector.broadcast %add3A_74 : i32 to vector<16xi32>
      %add3A_76 = arith.addi %mul3A_25, %add3A_75 : vector<16xi32>
      %gather3A_77 = tpu.vector_load_idx %arg10[%add3A_76] : memref<1024xf32, #tpu.memory_space<vmem>>[vector<16xi32>], vector<16xf32>,
      %add3A_78 = arith.constant 3 : i32
      %add3A_79 = vector.broadcast %add3A_78 : i32 to vector<16xi32>
      %add3A_80 = arith.addi %mul3A_19, %add3A_79 : vector<16xi32>
      tpu.vector_store_idx %arg12[%add3A_80], %gather3A_77 : memref<65536xf32, #tpu.memory_space<vmem>>[vector<16xi32>], vector<16xf32>,
      %add3A_81 = arith.constant 3 : i32
      %add3A_82 = vector.broadcast %add3A_81 : i32 to vector<16xi32>
      %add3A_83 = arith.addi %mul3A_32, %add3A_82 : vector<16xi32>
      %gather3A_84 = tpu.vector_load_idx %arg11[%add3A_83] : memref<11264xf32, #tpu.memory_space<vmem>>[vector<16xi32>], vector<16xf32>,
      %add3A_85 = arith.constant 35 : i32
      %add3A_86 = vector.broadcast %add3A_85 : i32 to vector<16xi32>
      %add3A_87 = arith.addi %mul3A_19, %add3A_86 : vector<16xi32>
      tpu.vector_store_idx %arg12[%add3A_87], %gather3A_84 : memref<65536xf32, #tpu.memory_space<vmem>>[vector<16xi32>], vector<16xf32>,
      %add3A_88 = arith.constant 4 : i32
      %add3A_89 = vector.broadcast %add3A_88 : i32 to vector<16xi32>
      %add3A_90 = arith.addi %mul3A_25, %add3A_89 : vector<16xi32>
      %gather3A_91 = tpu.vector_load_idx %arg10[%add3A_90] : memref<1024xf32, #tpu.memory_space<vmem>>[vector<16xi32>], vector<16xf32>,
      %add3A_92 = arith.constant 4 : i32
      %add3A_93 = vector.broadcast %add3A_92 : i32 to vector<16xi32>
      %add3A_94 = arith.addi %mul3A_19, %add3A_93 : vector<16xi32>
      tpu.vector_store_idx %arg12[%add3A_94], %gather3A_91 : memref<65536xf32, #tpu.memory_space<vmem>>[vector<16xi32>], vector<16xf32>,
      %add3A_95 = arith.constant 4 : i32
      %add3A_96 = vector.broadcast %add3A_95 : i32 to vector<16xi32>
      %add3A_97 = arith.addi %mul3A_32, %add3A_96 : vector<16xi32>
      %gather3A_98 = tpu.vector_load_idx %arg11[%add3A_97] : memref<11264xf32, #tpu.memory_space<vmem>>[vector<16xi32>], vector<16xf32>,
      %add3A_99 = arith.constant 36 : i32
      %add3A_100 = vector.broadcast %add3A_99 : i32 to vector<16xi32>
      %add3A_101 = arith.addi %mul3A_19, %add3A_100 : vector<16xi32>
      tpu.vector_store_idx %arg12[%add3A_101], %gather3A_98 : memref<65536xf32, #tpu.memory_space<vmem>>[vector<16xi32>], vector<16xf32>,
      %add3A_102 = arith.constant 5 : i32
      %add3A_103 = vector.broadcast %add3A_102 : i32 to vector<16xi32>
      %add3A_104 = arith.addi %mul3A_25, %add3A_103 : vector<16xi32>
      %gather3A_105 = tpu.vector_load_idx %arg10[%add3A_104] : memref<1024xf32, #tpu.memory_space<vmem>>[vector<16xi32>], vector<16xf32>,
      %add3A_106 = arith.constant 5 : i32
      %add3A_107 = vector.broadcast %add3A_106 : i32 to vector<16xi32>
      %add3A_108 = arith.addi %mul3A_19, %add3A_107 : vector<16xi32>
      tpu.vector_store_idx %arg12[%add3A_108], %gather3A_105 : memref<65536xf32, #tpu.memory_space<vmem>>[vector<16xi32>], vector<16xf32>,
      %add3A_109 = arith.constant 5 : i32
      %add3A_110 = vector.broadcast %add3A_109 : i32 to vector<16xi32>
      %add3A_111 = arith.addi %mul3A_32, %add3A_110 : vector<16xi32>
      %gather3A_112 = tpu.vector_load_idx %arg11[%add3A_111] : memref<11264xf32, #tpu.memory_space<vmem>>[vector<16xi32>], vector<16xf32>,
      %add3A_113 = arith.constant 37 : i32
      %add3A_114 = vector.broadcast %add3A_113 : i32 to vector<16xi32>
      %add3A_115 = arith.addi %mul3A_19, %add3A_114 : vector<16xi32>
      tpu.vector_store_idx %arg12[%add3A_115], %gather3A_112 : memref<65536xf32, #tpu.memory_space<vmem>>[vector<16xi32>], vector<16xf32>,
      %add3A_116 = arith.constant 6 : i32
      %add3A_117 = vector.broadcast %add3A_116 : i32 to vector<16xi32>
      %add3A_118 = arith.addi %mul3A_25, %add3A_117 : vector<16xi32>
      %gather3A_119 = tpu.vector_load_idx %arg10[%add3A_118] : memref<1024xf32, #tpu.memory_space<vmem>>[vector<16xi32>], vector<16xf32>,
      %add3A_120 = arith.constant 6 : i32
      %add3A_121 = vector.broadcast %add3A_120 : i32 to vector<16xi32>
      %add3A_122 = arith.addi %mul3A_19, %add3A_121 : vector<16xi32>
      tpu.vector_store_idx %arg12[%add3A_122], %gather3A_119 : memref<65536xf32, #tpu.memory_space<vmem>>[vector<16xi32>], vector<16xf32>,
      %add3A_123 = arith.constant 6 : i32
      %add3A_124 = vector.broadcast %add3A_123 : i32 to vector<16xi32>
      %add3A_125 = arith.addi %mul3A_32, %add3A_124 : vector<16xi32>
      %gather3A_126 = tpu.vector_load_idx %arg11[%add3A_125] : memref<11264xf32, #tpu.memory_space<vmem>>[vector<16xi32>], vector<16xf32>,
      %add3A_127 = arith.constant 38 : i32
      %add3A_128 = vector.broadcast %add3A_127 : i32 to vector<16xi32>
      %add3A_129 = arith.addi %mul3A_19, %add3A_128 : vector<16xi32>
      tpu.vector_store_idx %arg12[%add3A_129], %gather3A_126 : memref<65536xf32, #tpu.memory_space<vmem>>[vector<16xi32>], vector<16xf32>,
      %add3A_130 = arith.constant 7 : i32
      %add3A_131 = vector.broadcast %add3A_130 : i32 to vector<16xi32>
      %add3A_132 = arith.addi %mul3A_25, %add3A_131 : vector<16xi32>
      %gather3A_133 = tpu.vector_load_idx %arg10[%add3A_132] : memref<1024xf32, #tpu.memory_space<vmem>>[vector<16xi32>], vector<16xf32>,
      %add3A_134 = arith.constant 7 : i32
      %add3A_135 = vector.broadcast %add3A_134 : i32 to vector<16xi32>
      %add3A_136 = arith.addi %mul3A_19, %add3A_135 : vector<16xi32>
      tpu.vector_store_idx %arg12[%add3A_136], %gather3A_133 : memref<65536xf32, #tpu.memory_space<vmem>>[vector<16xi32>], vector<16xf32>,
      %add3A_137 = arith.constant 7 : i32
      %add3A_138 = vector.broadcast %add3A_137 : i32 to vector<16xi32>
      %add3A_139 = arith.addi %mul3A_32, %add3A_138 : vector<16xi32>
      %gather3A_140 = tpu.vector_load_idx %arg11[%add3A_139] : memref<11264xf32, #tpu.memory_space<vmem>>[vector<16xi32>], vector<16xf32>,
      %add3A_141 = arith.constant 39 : i32
      %add3A_142 = vector.broadcast %add3A_141 : i32 to vector<16xi32>
      %add3A_143 = arith.addi %mul3A_19, %add3A_142 : vector<16xi32>
      tpu.vector_store_idx %arg12[%add3A_143], %gather3A_140 : memref<65536xf32, #tpu.memory_space<vmem>>[vector<16xi32>], vector<16xf32>,
      %add3A_144 = arith.constant 8 : i32
      %add3A_145 = vector.broadcast %add3A_144 : i32 to vector<16xi32>
      %add3A_146 = arith.addi %mul3A_25, %add3A_145 : vector<16xi32>
      %gather3A_147 = tpu.vector_load_idx %arg10[%add3A_146] : memref<1024xf32, #tpu.memory_space<vmem>>[vector<16xi32>], vector<16xf32>,
      %add3A_148 = arith.constant 8 : i32
      %add3A_149 = vector.broadcast %add3A_148 : i32 to vector<16xi32>
      %add3A_150 = arith.addi %mul3A_19, %add3A_149 : vector<16xi32>
      tpu.vector_store_idx %arg12[%add3A_150], %gather3A_147 : memref<65536xf32, #tpu.memory_space<vmem>>[vector<16xi32>], vector<16xf32>,
      %add3A_151 = arith.constant 8 : i32
      %add3A_152 = vector.broadcast %add3A_151 : i32 to vector<16xi32>
      %add3A_153 = arith.addi %mul3A_32, %add3A_152 : vector<16xi32>
      %gather3A_154 = tpu.vector_load_idx %arg11[%add3A_153] : memref<11264xf32, #tpu.memory_space<vmem>>[vector<16xi32>], vector<16xf32>,
      %add3A_155 = arith.constant 40 : i32
      %add3A_156 = vector.broadcast %add3A_155 : i32 to vector<16xi32>
      %add3A_157 = arith.addi %mul3A_19, %add3A_156 : vector<16xi32>
      tpu.vector_store_idx %arg12[%add3A_157], %gather3A_154 : memref<65536xf32, #tpu.memory_space<vmem>>[vector<16xi32>], vector<16xf32>,
      %add3A_158 = arith.constant 9 : i32
      %add3A_159 = vector.broadcast %add3A_158 : i32 to vector<16xi32>
      %add3A_160 = arith.addi %mul3A_25, %add3A_159 : vector<16xi32>
      %gather3A_161 = tpu.vector_load_idx %arg10[%add3A_160] : memref<1024xf32, #tpu.memory_space<vmem>>[vector<16xi32>], vector<16xf32>,
      %add3A_162 = arith.constant 9 : i32
      %add3A_163 = vector.broadcast %add3A_162 : i32 to vector<16xi32>
      %add3A_164 = arith.addi %mul3A_19, %add3A_163 : vector<16xi32>
      tpu.vector_store_idx %arg12[%add3A_164], %gather3A_161 : memref<65536xf32, #tpu.memory_space<vmem>>[vector<16xi32>], vector<16xf32>,
      %add3A_165 = arith.constant 9 : i32
      %add3A_166 = vector.broadcast %add3A_165 : i32 to vector<16xi32>
      %add3A_167 = arith.addi %mul3A_32, %add3A_166 : vector<16xi32>
      %gather3A_168 = tpu.vector_load_idx %arg11[%add3A_167] : memref<11264xf32, #tpu.memory_space<vmem>>[vector<16xi32>], vector<16xf32>,
      %add3A_169 = arith.constant 41 : i32
      %add3A_170 = vector.broadcast %add3A_169 : i32 to vector<16xi32>
      %add3A_171 = arith.addi %mul3A_19, %add3A_170 : vector<16xi32>
      tpu.vector_store_idx %arg12[%add3A_171], %gather3A_168 : memref<65536xf32, #tpu.memory_space<vmem>>[vector<16xi32>], vector<16xf32>,
      %add3A_172 = arith.constant 10 : i32
      %add3A_173 = vector.broadcast %add3A_172 : i32 to vector<16xi32>
      %add3A_174 = arith.addi %mul3A_25, %add3A_173 : vector<16xi32>
      %gather3A_175 = tpu.vector_load_idx %arg10[%add3A_174] : memref<1024xf32, #tpu.memory_space<vmem>>[vector<16xi32>], vector<16xf32>,
      %add3A_176 = arith.constant 10 : i32
      %add3A_177 = vector.broadcast %add3A_176 : i32 to vector<16xi32>
      %add3A_178 = arith.addi %mul3A_19, %add3A_177 : vector<16xi32>
      tpu.vector_store_idx %arg12[%add3A_178], %gather3A_175 : memref<65536xf32, #tpu.memory_space<vmem>>[vector<16xi32>], vector<16xf32>,
      %add3A_179 = arith.constant 10 : i32
      %add3A_180 = vector.broadcast %add3A_179 : i32 to vector<16xi32>
      %add3A_181 = arith.addi %mul3A_32, %add3A_180 : vector<16xi32>
      %gather3A_182 = tpu.vector_load_idx %arg11[%add3A_181] : memref<11264xf32, #tpu.memory_space<vmem>>[vector<16xi32>], vector<16xf32>,
      %add3A_183 = arith.constant 42 : i32
      %add3A_184 = vector.broadcast %add3A_183 : i32 to vector<16xi32>
      %add3A_185 = arith.addi %mul3A_19, %add3A_184 : vector<16xi32>
      tpu.vector_store_idx %arg12[%add3A_185], %gather3A_182 : memref<65536xf32, #tpu.memory_space<vmem>>[vector<16xi32>], vector<16xf32>,
      %add3A_186 = arith.constant 11 : i32
      %add3A_187 = vector.broadcast %add3A_186 : i32 to vector<16xi32>
      %add3A_188 = arith.addi %mul3A_25, %add3A_187 : vector<16xi32>
      %gather3A_189 = tpu.vector_load_idx %arg10[%add3A_188] : memref<1024xf32, #tpu.memory_space<vmem>>[vector<16xi32>], vector<16xf32>,
      %add3A_190 = arith.constant 11 : i32
      %add3A_191 = vector.broadcast %add3A_190 : i32 to vector<16xi32>
      %add3A_192 = arith.addi %mul3A_19, %add3A_191 : vector<16xi32>
      tpu.vector_store_idx %arg12[%add3A_192], %gather3A_189 : memref<65536xf32, #tpu.memory_space<vmem>>[vector<16xi32>], vector<16xf32>,
      %add3A_193 = arith.constant 11 : i32
      %add3A_194 = vector.broadcast %add3A_193 : i32 to vector<16xi32>
      %add3A_195 = arith.addi %mul3A_32, %add3A_194 : vector<16xi32>
      %gather3A_196 = tpu.vector_load_idx %arg11[%add3A_195] : memref<11264xf32, #tpu.memory_space<vmem>>[vector<16xi32>], vector<16xf32>,
      %add3A_197 = arith.constant 43 : i32
      %add3A_198 = vector.broadcast %add3A_197 : i32 to vector<16xi32>
      %add3A_199 = arith.addi %mul3A_19, %add3A_198 : vector<16xi32>
      tpu.vector_store_idx %arg12[%add3A_199], %gather3A_196 : memref<65536xf32, #tpu.memory_space<vmem>>[vector<16xi32>], vector<16xf32>,
      %add3A_200 = arith.constant 12 : i32
      %add3A_201 = vector.broadcast %add3A_200 : i32 to vector<16xi32>
      %add3A_202 = arith.addi %mul3A_25, %add3A_201 : vector<16xi32>
      %gather3A_203 = tpu.vector_load_idx %arg10[%add3A_202] : memref<1024xf32, #tpu.memory_space<vmem>>[vector<16xi32>], vector<16xf32>,
      %add3A_204 = arith.constant 12 : i32
      %add3A_205 = vector.broadcast %add3A_204 : i32 to vector<16xi32>
      %add3A_206 = arith.addi %mul3A_19, %add3A_205 : vector<16xi32>
      tpu.vector_store_idx %arg12[%add3A_206], %gather3A_203 : memref<65536xf32, #tpu.memory_space<vmem>>[vector<16xi32>], vector<16xf32>,
      %add3A_207 = arith.constant 12 : i32
      %add3A_208 = vector.broadcast %add3A_207 : i32 to vector<16xi32>
      %add3A_209 = arith.addi %mul3A_32, %add3A_208 : vector<16xi32>
      %gather3A_210 = tpu.vector_load_idx %arg11[%add3A_209] : memref<11264xf32, #tpu.memory_space<vmem>>[vector<16xi32>], vector<16xf32>,
      %add3A_211 = arith.constant 44 : i32
      %add3A_212 = vector.broadcast %add3A_211 : i32 to vector<16xi32>
      %add3A_213 = arith.addi %mul3A_19, %add3A_212 : vector<16xi32>
      tpu.vector_store_idx %arg12[%add3A_213], %gather3A_210 : memref<65536xf32, #tpu.memory_space<vmem>>[vector<16xi32>], vector<16xf32>,
      %add3A_214 = arith.constant 13 : i32
      %add3A_215 = vector.broadcast %add3A_214 : i32 to vector<16xi32>
      %add3A_216 = arith.addi %mul3A_25, %add3A_215 : vector<16xi32>
      %gather3A_217 = tpu.vector_load_idx %arg10[%add3A_216] : memref<1024xf32, #tpu.memory_space<vmem>>[vector<16xi32>], vector<16xf32>,
      %add3A_218 = arith.constant 13 : i32
      %add3A_219 = vector.broadcast %add3A_218 : i32 to vector<16xi32>
      %add3A_220 = arith.addi %mul3A_19, %add3A_219 : vector<16xi32>
      tpu.vector_store_idx %arg12[%add3A_220], %gather3A_217 : memref<65536xf32, #tpu.memory_space<vmem>>[vector<16xi32>], vector<16xf32>,
      %add3A_221 = arith.constant 13 : i32
      %add3A_222 = vector.broadcast %add3A_221 : i32 to vector<16xi32>
      %add3A_223 = arith.addi %mul3A_32, %add3A_222 : vector<16xi32>
      %gather3A_224 = tpu.vector_load_idx %arg11[%add3A_223] : memref<11264xf32, #tpu.memory_space<vmem>>[vector<16xi32>], vector<16xf32>,
      %add3A_225 = arith.constant 45 : i32
      %add3A_226 = vector.broadcast %add3A_225 : i32 to vector<16xi32>
      %add3A_227 = arith.addi %mul3A_19, %add3A_226 : vector<16xi32>
      tpu.vector_store_idx %arg12[%add3A_227], %gather3A_224 : memref<65536xf32, #tpu.memory_space<vmem>>[vector<16xi32>], vector<16xf32>,
      %add3A_228 = arith.constant 14 : i32
      %add3A_229 = vector.broadcast %add3A_228 : i32 to vector<16xi32>
      %add3A_230 = arith.addi %mul3A_25, %add3A_229 : vector<16xi32>
      %gather3A_231 = tpu.vector_load_idx %arg10[%add3A_230] : memref<1024xf32, #tpu.memory_space<vmem>>[vector<16xi32>], vector<16xf32>,
      %add3A_232 = arith.constant 14 : i32
      %add3A_233 = vector.broadcast %add3A_232 : i32 to vector<16xi32>
      %add3A_234 = arith.addi %mul3A_19, %add3A_233 : vector<16xi32>
      tpu.vector_store_idx %arg12[%add3A_234], %gather3A_231 : memref<65536xf32, #tpu.memory_space<vmem>>[vector<16xi32>], vector<16xf32>,
      %add3A_235 = arith.constant 14 : i32
      %add3A_236 = vector.broadcast %add3A_235 : i32 to vector<16xi32>
      %add3A_237 = arith.addi %mul3A_32, %add3A_236 : vector<16xi32>
      %gather3A_238 = tpu.vector_load_idx %arg11[%add3A_237] : memref<11264xf32, #tpu.memory_space<vmem>>[vector<16xi32>], vector<16xf32>,
      %add3A_239 = arith.constant 46 : i32
      %add3A_240 = vector.broadcast %add3A_239 : i32 to vector<16xi32>
      %add3A_241 = arith.addi %mul3A_19, %add3A_240 : vector<16xi32>
      tpu.vector_store_idx %arg12[%add3A_241], %gather3A_238 : memref<65536xf32, #tpu.memory_space<vmem>>[vector<16xi32>], vector<16xf32>,
      %add3A_242 = arith.constant 15 : i32
      %add3A_243 = vector.broadcast %add3A_242 : i32 to vector<16xi32>
      %add3A_244 = arith.addi %mul3A_25, %add3A_243 : vector<16xi32>
      %gather3A_245 = tpu.vector_load_idx %arg10[%add3A_244] : memref<1024xf32, #tpu.memory_space<vmem>>[vector<16xi32>], vector<16xf32>,
      %add3A_246 = arith.constant 15 : i32
      %add3A_247 = vector.broadcast %add3A_246 : i32 to vector<16xi32>
      %add3A_248 = arith.addi %mul3A_19, %add3A_247 : vector<16xi32>
      tpu.vector_store_idx %arg12[%add3A_248], %gather3A_245 : memref<65536xf32, #tpu.memory_space<vmem>>[vector<16xi32>], vector<16xf32>,
      %add3A_249 = arith.constant 15 : i32
      %add3A_250 = vector.broadcast %add3A_249 : i32 to vector<16xi32>
      %add3A_251 = arith.addi %mul3A_32, %add3A_250 : vector<16xi32>
      %gather3A_252 = tpu.vector_load_idx %arg11[%add3A_251] : memref<11264xf32, #tpu.memory_space<vmem>>[vector<16xi32>], vector<16xf32>,
      %add3A_253 = arith.constant 47 : i32
      %add3A_254 = vector.broadcast %add3A_253 : i32 to vector<16xi32>
      %add3A_255 = arith.addi %mul3A_19, %add3A_254 : vector<16xi32>
      tpu.vector_store_idx %arg12[%add3A_255], %gather3A_252 : memref<65536xf32, #tpu.memory_space<vmem>>[vector<16xi32>], vector<16xf32>,
      %add3A_256 = arith.constant 16 : i32
      %add3A_257 = vector.broadcast %add3A_256 : i32 to vector<16xi32>
      %add3A_258 = arith.addi %mul3A_25, %add3A_257 : vector<16xi32>
      %gather3A_259 = tpu.vector_load_idx %arg10[%add3A_258] : memref<1024xf32, #tpu.memory_space<vmem>>[vector<16xi32>], vector<16xf32>,
      %add3A_260 = arith.constant 16 : i32
      %add3A_261 = vector.broadcast %add3A_260 : i32 to vector<16xi32>
      %add3A_262 = arith.addi %mul3A_19, %add3A_261 : vector<16xi32>
      tpu.vector_store_idx %arg12[%add3A_262], %gather3A_259 : memref<65536xf32, #tpu.memory_space<vmem>>[vector<16xi32>], vector<16xf32>,
      %add3A_263 = arith.constant 16 : i32
      %add3A_264 = vector.broadcast %add3A_263 : i32 to vector<16xi32>
      %add3A_265 = arith.addi %mul3A_32, %add3A_264 : vector<16xi32>
      %gather3A_266 = tpu.vector_load_idx %arg11[%add3A_265] : memref<11264xf32, #tpu.memory_space<vmem>>[vector<16xi32>], vector<16xf32>,
      %add3A_267 = arith.constant 48 : i32
      %add3A_268 = vector.broadcast %add3A_267 : i32 to vector<16xi32>
      %add3A_269 = arith.addi %mul3A_19, %add3A_268 : vector<16xi32>
      tpu.vector_store_idx %arg12[%add3A_269], %gather3A_266 : memref<65536xf32, #tpu.memory_space<vmem>>[vector<16xi32>], vector<16xf32>,
      %add3A_270 = arith.constant 17 : i32
      %add3A_271 = vector.broadcast %add3A_270 : i32 to vector<16xi32>
      %add3A_272 = arith.addi %mul3A_25, %add3A_271 : vector<16xi32>
      %gather3A_273 = tpu.vector_load_idx %arg10[%add3A_272] : memref<1024xf32, #tpu.memory_space<vmem>>[vector<16xi32>], vector<16xf32>,
      %add3A_274 = arith.constant 17 : i32
      %add3A_275 = vector.broadcast %add3A_274 : i32 to vector<16xi32>
      %add3A_276 = arith.addi %mul3A_19, %add3A_275 : vector<16xi32>
      tpu.vector_store_idx %arg12[%add3A_276], %gather3A_273 : memref<65536xf32, #tpu.memory_space<vmem>>[vector<16xi32>], vector<16xf32>,
      %add3A_277 = arith.constant 17 : i32
      %add3A_278 = vector.broadcast %add3A_277 : i32 to vector<16xi32>
      %add3A_279 = arith.addi %mul3A_32, %add3A_278 : vector<16xi32>
      %gather3A_280 = tpu.vector_load_idx %arg11[%add3A_279] : memref<11264xf32, #tpu.memory_space<vmem>>[vector<16xi32>], vector<16xf32>,
      %add3A_281 = arith.constant 49 : i32
      %add3A_282 = vector.broadcast %add3A_281 : i32 to vector<16xi32>
      %add3A_283 = arith.addi %mul3A_19, %add3A_282 : vector<16xi32>
      tpu.vector_store_idx %arg12[%add3A_283], %gather3A_280 : memref<65536xf32, #tpu.memory_space<vmem>>[vector<16xi32>], vector<16xf32>,
      %add3A_284 = arith.constant 18 : i32
      %add3A_285 = vector.broadcast %add3A_284 : i32 to vector<16xi32>
      %add3A_286 = arith.addi %mul3A_25, %add3A_285 : vector<16xi32>
      %gather3A_287 = tpu.vector_load_idx %arg10[%add3A_286] : memref<1024xf32, #tpu.memory_space<vmem>>[vector<16xi32>], vector<16xf32>,
      %add3A_288 = arith.constant 18 : i32
      %add3A_289 = vector.broadcast %add3A_288 : i32 to vector<16xi32>
      %add3A_290 = arith.addi %mul3A_19, %add3A_289 : vector<16xi32>
      tpu.vector_store_idx %arg12[%add3A_290], %gather3A_287 : memref<65536xf32, #tpu.memory_space<vmem>>[vector<16xi32>], vector<16xf32>,
      %add3A_291 = arith.constant 18 : i32
      %add3A_292 = vector.broadcast %add3A_291 : i32 to vector<16xi32>
      %add3A_293 = arith.addi %mul3A_32, %add3A_292 : vector<16xi32>
      %gather3A_294 = tpu.vector_load_idx %arg11[%add3A_293] : memref<11264xf32, #tpu.memory_space<vmem>>[vector<16xi32>], vector<16xf32>,
      %add3A_295 = arith.constant 50 : i32
      %add3A_296 = vector.broadcast %add3A_295 : i32 to vector<16xi32>
      %add3A_297 = arith.addi %mul3A_19, %add3A_296 : vector<16xi32>
      tpu.vector_store_idx %arg12[%add3A_297], %gather3A_294 : memref<65536xf32, #tpu.memory_space<vmem>>[vector<16xi32>], vector<16xf32>,
      %add3A_298 = arith.constant 19 : i32
      %add3A_299 = vector.broadcast %add3A_298 : i32 to vector<16xi32>
      %add3A_300 = arith.addi %mul3A_25, %add3A_299 : vector<16xi32>
      %gather3A_301 = tpu.vector_load_idx %arg10[%add3A_300] : memref<1024xf32, #tpu.memory_space<vmem>>[vector<16xi32>], vector<16xf32>,
      %add3A_302 = arith.constant 19 : i32
      %add3A_303 = vector.broadcast %add3A_302 : i32 to vector<16xi32>
      %add3A_304 = arith.addi %mul3A_19, %add3A_303 : vector<16xi32>
      tpu.vector_store_idx %arg12[%add3A_304], %gather3A_301 : memref<65536xf32, #tpu.memory_space<vmem>>[vector<16xi32>], vector<16xf32>,
      %add3A_305 = arith.constant 19 : i32
      %add3A_306 = vector.broadcast %add3A_305 : i32 to vector<16xi32>
      %add3A_307 = arith.addi %mul3A_32, %add3A_306 : vector<16xi32>
      %gather3A_308 = tpu.vector_load_idx %arg11[%add3A_307] : memref<11264xf32, #tpu.memory_space<vmem>>[vector<16xi32>], vector<16xf32>,
      %add3A_309 = arith.constant 51 : i32
      %add3A_310 = vector.broadcast %add3A_309 : i32 to vector<16xi32>
      %add3A_311 = arith.addi %mul3A_19, %add3A_310 : vector<16xi32>
      tpu.vector_store_idx %arg12[%add3A_311], %gather3A_308 : memref<65536xf32, #tpu.memory_space<vmem>>[vector<16xi32>], vector<16xf32>,
      %add3A_312 = arith.constant 20 : i32
      %add3A_313 = vector.broadcast %add3A_312 : i32 to vector<16xi32>
      %add3A_314 = arith.addi %mul3A_25, %add3A_313 : vector<16xi32>
      %gather3A_315 = tpu.vector_load_idx %arg10[%add3A_314] : memref<1024xf32, #tpu.memory_space<vmem>>[vector<16xi32>], vector<16xf32>,
      %add3A_316 = arith.constant 20 : i32
      %add3A_317 = vector.broadcast %add3A_316 : i32 to vector<16xi32>
      %add3A_318 = arith.addi %mul3A_19, %add3A_317 : vector<16xi32>
      tpu.vector_store_idx %arg12[%add3A_318], %gather3A_315 : memref<65536xf32, #tpu.memory_space<vmem>>[vector<16xi32>], vector<16xf32>,
      %add3A_319 = arith.constant 20 : i32
      %add3A_320 = vector.broadcast %add3A_319 : i32 to vector<16xi32>
      %add3A_321 = arith.addi %mul3A_32, %add3A_320 : vector<16xi32>
      %gather3A_322 = tpu.vector_load_idx %arg11[%add3A_321] : memref<11264xf32, #tpu.memory_space<vmem>>[vector<16xi32>], vector<16xf32>,
      %add3A_323 = arith.constant 52 : i32
      %add3A_324 = vector.broadcast %add3A_323 : i32 to vector<16xi32>
      %add3A_325 = arith.addi %mul3A_19, %add3A_324 : vector<16xi32>
      tpu.vector_store_idx %arg12[%add3A_325], %gather3A_322 : memref<65536xf32, #tpu.memory_space<vmem>>[vector<16xi32>], vector<16xf32>,
      %add3A_326 = arith.constant 21 : i32
      %add3A_327 = vector.broadcast %add3A_326 : i32 to vector<16xi32>
      %add3A_328 = arith.addi %mul3A_25, %add3A_327 : vector<16xi32>
      %gather3A_329 = tpu.vector_load_idx %arg10[%add3A_328] : memref<1024xf32, #tpu.memory_space<vmem>>[vector<16xi32>], vector<16xf32>,
      %add3A_330 = arith.constant 21 : i32
      %add3A_331 = vector.broadcast %add3A_330 : i32 to vector<16xi32>
      %add3A_332 = arith.addi %mul3A_19, %add3A_331 : vector<16xi32>
      tpu.vector_store_idx %arg12[%add3A_332], %gather3A_329 : memref<65536xf32, #tpu.memory_space<vmem>>[vector<16xi32>], vector<16xf32>,
      %add3A_333 = arith.constant 21 : i32
      %add3A_334 = vector.broadcast %add3A_333 : i32 to vector<16xi32>
      %add3A_335 = arith.addi %mul3A_32, %add3A_334 : vector<16xi32>
      %gather3A_336 = tpu.vector_load_idx %arg11[%add3A_335] : memref<11264xf32, #tpu.memory_space<vmem>>[vector<16xi32>], vector<16xf32>,
      %add3A_337 = arith.constant 53 : i32
      %add3A_338 = vector.broadcast %add3A_337 : i32 to vector<16xi32>
      %add3A_339 = arith.addi %mul3A_19, %add3A_338 : vector<16xi32>
      tpu.vector_store_idx %arg12[%add3A_339], %gather3A_336 : memref<65536xf32, #tpu.memory_space<vmem>>[vector<16xi32>], vector<16xf32>,
      %add3A_340 = arith.constant 22 : i32
      %add3A_341 = vector.broadcast %add3A_340 : i32 to vector<16xi32>
      %add3A_342 = arith.addi %mul3A_25, %add3A_341 : vector<16xi32>
      %gather3A_343 = tpu.vector_load_idx %arg10[%add3A_342] : memref<1024xf32, #tpu.memory_space<vmem>>[vector<16xi32>], vector<16xf32>,
      %add3A_344 = arith.constant 22 : i32
      %add3A_345 = vector.broadcast %add3A_344 : i32 to vector<16xi32>
      %add3A_346 = arith.addi %mul3A_19, %add3A_345 : vector<16xi32>
      tpu.vector_store_idx %arg12[%add3A_346], %gather3A_343 : memref<65536xf32, #tpu.memory_space<vmem>>[vector<16xi32>], vector<16xf32>,
      %add3A_347 = arith.constant 22 : i32
      %add3A_348 = vector.broadcast %add3A_347 : i32 to vector<16xi32>
      %add3A_349 = arith.addi %mul3A_32, %add3A_348 : vector<16xi32>
      %gather3A_350 = tpu.vector_load_idx %arg11[%add3A_349] : memref<11264xf32, #tpu.memory_space<vmem>>[vector<16xi32>], vector<16xf32>,
      %add3A_351 = arith.constant 54 : i32
      %add3A_352 = vector.broadcast %add3A_351 : i32 to vector<16xi32>
      %add3A_353 = arith.addi %mul3A_19, %add3A_352 : vector<16xi32>
      tpu.vector_store_idx %arg12[%add3A_353], %gather3A_350 : memref<65536xf32, #tpu.memory_space<vmem>>[vector<16xi32>], vector<16xf32>,
      %add3A_354 = arith.constant 23 : i32
      %add3A_355 = vector.broadcast %add3A_354 : i32 to vector<16xi32>
      %add3A_356 = arith.addi %mul3A_25, %add3A_355 : vector<16xi32>
      %gather3A_357 = tpu.vector_load_idx %arg10[%add3A_356] : memref<1024xf32, #tpu.memory_space<vmem>>[vector<16xi32>], vector<16xf32>,
      %add3A_358 = arith.constant 23 : i32
      %add3A_359 = vector.broadcast %add3A_358 : i32 to vector<16xi32>
      %add3A_360 = arith.addi %mul3A_19, %add3A_359 : vector<16xi32>
      tpu.vector_store_idx %arg12[%add3A_360], %gather3A_357 : memref<65536xf32, #tpu.memory_space<vmem>>[vector<16xi32>], vector<16xf32>,
      %add3A_361 = arith.constant 23 : i32
      %add3A_362 = vector.broadcast %add3A_361 : i32 to vector<16xi32>
      %add3A_363 = arith.addi %mul3A_32, %add3A_362 : vector<16xi32>
      %gather3A_364 = tpu.vector_load_idx %arg11[%add3A_363] : memref<11264xf32, #tpu.memory_space<vmem>>[vector<16xi32>], vector<16xf32>,
      %add3A_365 = arith.constant 55 : i32
      %add3A_366 = vector.broadcast %add3A_365 : i32 to vector<16xi32>
      %add3A_367 = arith.addi %mul3A_19, %add3A_366 : vector<16xi32>
      tpu.vector_store_idx %arg12[%add3A_367], %gather3A_364 : memref<65536xf32, #tpu.memory_space<vmem>>[vector<16xi32>], vector<16xf32>,
      %add3A_368 = arith.constant 24 : i32
      %add3A_369 = vector.broadcast %add3A_368 : i32 to vector<16xi32>
      %add3A_370 = arith.addi %mul3A_25, %add3A_369 : vector<16xi32>
      %gather3A_371 = tpu.vector_load_idx %arg10[%add3A_370] : memref<1024xf32, #tpu.memory_space<vmem>>[vector<16xi32>], vector<16xf32>,
      %add3A_372 = arith.constant 24 : i32
      %add3A_373 = vector.broadcast %add3A_372 : i32 to vector<16xi32>
      %add3A_374 = arith.addi %mul3A_19, %add3A_373 : vector<16xi32>
      tpu.vector_store_idx %arg12[%add3A_374], %gather3A_371 : memref<65536xf32, #tpu.memory_space<vmem>>[vector<16xi32>], vector<16xf32>,
      %add3A_375 = arith.constant 24 : i32
      %add3A_376 = vector.broadcast %add3A_375 : i32 to vector<16xi32>
      %add3A_377 = arith.addi %mul3A_32, %add3A_376 : vector<16xi32>
      %gather3A_378 = tpu.vector_load_idx %arg11[%add3A_377] : memref<11264xf32, #tpu.memory_space<vmem>>[vector<16xi32>], vector<16xf32>,
      %add3A_379 = arith.constant 56 : i32
      %add3A_380 = vector.broadcast %add3A_379 : i32 to vector<16xi32>
      %add3A_381 = arith.addi %mul3A_19, %add3A_380 : vector<16xi32>
      tpu.vector_store_idx %arg12[%add3A_381], %gather3A_378 : memref<65536xf32, #tpu.memory_space<vmem>>[vector<16xi32>], vector<16xf32>,
      %add3A_382 = arith.constant 25 : i32
      %add3A_383 = vector.broadcast %add3A_382 : i32 to vector<16xi32>
      %add3A_384 = arith.addi %mul3A_25, %add3A_383 : vector<16xi32>
      %gather3A_385 = tpu.vector_load_idx %arg10[%add3A_384] : memref<1024xf32, #tpu.memory_space<vmem>>[vector<16xi32>], vector<16xf32>,
      %add3A_386 = arith.constant 25 : i32
      %add3A_387 = vector.broadcast %add3A_386 : i32 to vector<16xi32>
      %add3A_388 = arith.addi %mul3A_19, %add3A_387 : vector<16xi32>
      tpu.vector_store_idx %arg12[%add3A_388], %gather3A_385 : memref<65536xf32, #tpu.memory_space<vmem>>[vector<16xi32>], vector<16xf32>,
      %add3A_389 = arith.constant 25 : i32
      %add3A_390 = vector.broadcast %add3A_389 : i32 to vector<16xi32>
      %add3A_391 = arith.addi %mul3A_32, %add3A_390 : vector<16xi32>
      %gather3A_392 = tpu.vector_load_idx %arg11[%add3A_391] : memref<11264xf32, #tpu.memory_space<vmem>>[vector<16xi32>], vector<16xf32>,
      %add3A_393 = arith.constant 57 : i32
      %add3A_394 = vector.broadcast %add3A_393 : i32 to vector<16xi32>
      %add3A_395 = arith.addi %mul3A_19, %add3A_394 : vector<16xi32>
      tpu.vector_store_idx %arg12[%add3A_395], %gather3A_392 : memref<65536xf32, #tpu.memory_space<vmem>>[vector<16xi32>], vector<16xf32>,
      %add3A_396 = arith.constant 26 : i32
      %add3A_397 = vector.broadcast %add3A_396 : i32 to vector<16xi32>
      %add3A_398 = arith.addi %mul3A_25, %add3A_397 : vector<16xi32>
      %gather3A_399 = tpu.vector_load_idx %arg10[%add3A_398] : memref<1024xf32, #tpu.memory_space<vmem>>[vector<16xi32>], vector<16xf32>,
      %add3A_400 = arith.constant 26 : i32
      %add3A_401 = vector.broadcast %add3A_400 : i32 to vector<16xi32>
      %add3A_402 = arith.addi %mul3A_19, %add3A_401 : vector<16xi32>
      tpu.vector_store_idx %arg12[%add3A_402], %gather3A_399 : memref<65536xf32, #tpu.memory_space<vmem>>[vector<16xi32>], vector<16xf32>,
      %add3A_403 = arith.constant 26 : i32
      %add3A_404 = vector.broadcast %add3A_403 : i32 to vector<16xi32>
      %add3A_405 = arith.addi %mul3A_32, %add3A_404 : vector<16xi32>
      %gather3A_406 = tpu.vector_load_idx %arg11[%add3A_405] : memref<11264xf32, #tpu.memory_space<vmem>>[vector<16xi32>], vector<16xf32>,
      %add3A_407 = arith.constant 58 : i32
      %add3A_408 = vector.broadcast %add3A_407 : i32 to vector<16xi32>
      %add3A_409 = arith.addi %mul3A_19, %add3A_408 : vector<16xi32>
      tpu.vector_store_idx %arg12[%add3A_409], %gather3A_406 : memref<65536xf32, #tpu.memory_space<vmem>>[vector<16xi32>], vector<16xf32>,
      %add3A_410 = arith.constant 27 : i32
      %add3A_411 = vector.broadcast %add3A_410 : i32 to vector<16xi32>
      %add3A_412 = arith.addi %mul3A_25, %add3A_411 : vector<16xi32>
      %gather3A_413 = tpu.vector_load_idx %arg10[%add3A_412] : memref<1024xf32, #tpu.memory_space<vmem>>[vector<16xi32>], vector<16xf32>,
      %add3A_414 = arith.constant 27 : i32
      %add3A_415 = vector.broadcast %add3A_414 : i32 to vector<16xi32>
      %add3A_416 = arith.addi %mul3A_19, %add3A_415 : vector<16xi32>
      tpu.vector_store_idx %arg12[%add3A_416], %gather3A_413 : memref<65536xf32, #tpu.memory_space<vmem>>[vector<16xi32>], vector<16xf32>,
      %add3A_417 = arith.constant 27 : i32
      %add3A_418 = vector.broadcast %add3A_417 : i32 to vector<16xi32>
      %add3A_419 = arith.addi %mul3A_32, %add3A_418 : vector<16xi32>
      %gather3A_420 = tpu.vector_load_idx %arg11[%add3A_419] : memref<11264xf32, #tpu.memory_space<vmem>>[vector<16xi32>], vector<16xf32>,
      %add3A_421 = arith.constant 59 : i32
      %add3A_422 = vector.broadcast %add3A_421 : i32 to vector<16xi32>
      %add3A_423 = arith.addi %mul3A_19, %add3A_422 : vector<16xi32>
      tpu.vector_store_idx %arg12[%add3A_423], %gather3A_420 : memref<65536xf32, #tpu.memory_space<vmem>>[vector<16xi32>], vector<16xf32>,
      %add3A_424 = arith.constant 28 : i32
      %add3A_425 = vector.broadcast %add3A_424 : i32 to vector<16xi32>
      %add3A_426 = arith.addi %mul3A_25, %add3A_425 : vector<16xi32>
      %gather3A_427 = tpu.vector_load_idx %arg10[%add3A_426] : memref<1024xf32, #tpu.memory_space<vmem>>[vector<16xi32>], vector<16xf32>,
      %add3A_428 = arith.constant 28 : i32
      %add3A_429 = vector.broadcast %add3A_428 : i32 to vector<16xi32>
      %add3A_430 = arith.addi %mul3A_19, %add3A_429 : vector<16xi32>
      tpu.vector_store_idx %arg12[%add3A_430], %gather3A_427 : memref<65536xf32, #tpu.memory_space<vmem>>[vector<16xi32>], vector<16xf32>,
      %add3A_431 = arith.constant 28 : i32
      %add3A_432 = vector.broadcast %add3A_431 : i32 to vector<16xi32>
      %add3A_433 = arith.addi %mul3A_32, %add3A_432 : vector<16xi32>
      %gather3A_434 = tpu.vector_load_idx %arg11[%add3A_433] : memref<11264xf32, #tpu.memory_space<vmem>>[vector<16xi32>], vector<16xf32>,
      %add3A_435 = arith.constant 60 : i32
      %add3A_436 = vector.broadcast %add3A_435 : i32 to vector<16xi32>
      %add3A_437 = arith.addi %mul3A_19, %add3A_436 : vector<16xi32>
      tpu.vector_store_idx %arg12[%add3A_437], %gather3A_434 : memref<65536xf32, #tpu.memory_space<vmem>>[vector<16xi32>], vector<16xf32>,
      %add3A_438 = arith.constant 29 : i32
      %add3A_439 = vector.broadcast %add3A_438 : i32 to vector<16xi32>
      %add3A_440 = arith.addi %mul3A_25, %add3A_439 : vector<16xi32>
      %gather3A_441 = tpu.vector_load_idx %arg10[%add3A_440] : memref<1024xf32, #tpu.memory_space<vmem>>[vector<16xi32>], vector<16xf32>,
      %add3A_442 = arith.constant 29 : i32
      %add3A_443 = vector.broadcast %add3A_442 : i32 to vector<16xi32>
      %add3A_444 = arith.addi %mul3A_19, %add3A_443 : vector<16xi32>
      tpu.vector_store_idx %arg12[%add3A_444], %gather3A_441 : memref<65536xf32, #tpu.memory_space<vmem>>[vector<16xi32>], vector<16xf32>,
      %add3A_445 = arith.constant 29 : i32
      %add3A_446 = vector.broadcast %add3A_445 : i32 to vector<16xi32>
      %add3A_447 = arith.addi %mul3A_32, %add3A_446 : vector<16xi32>
      %gather3A_448 = tpu.vector_load_idx %arg11[%add3A_447] : memref<11264xf32, #tpu.memory_space<vmem>>[vector<16xi32>], vector<16xf32>,
      %add3A_449 = arith.constant 61 : i32
      %add3A_450 = vector.broadcast %add3A_449 : i32 to vector<16xi32>
      %add3A_451 = arith.addi %mul3A_19, %add3A_450 : vector<16xi32>
      tpu.vector_store_idx %arg12[%add3A_451], %gather3A_448 : memref<65536xf32, #tpu.memory_space<vmem>>[vector<16xi32>], vector<16xf32>,
      %add3A_452 = arith.constant 30 : i32
      %add3A_453 = vector.broadcast %add3A_452 : i32 to vector<16xi32>
      %add3A_454 = arith.addi %mul3A_25, %add3A_453 : vector<16xi32>
      %gather3A_455 = tpu.vector_load_idx %arg10[%add3A_454] : memref<1024xf32, #tpu.memory_space<vmem>>[vector<16xi32>], vector<16xf32>,
      %add3A_456 = arith.constant 30 : i32
      %add3A_457 = vector.broadcast %add3A_456 : i32 to vector<16xi32>
      %add3A_458 = arith.addi %mul3A_19, %add3A_457 : vector<16xi32>
      tpu.vector_store_idx %arg12[%add3A_458], %gather3A_455 : memref<65536xf32, #tpu.memory_space<vmem>>[vector<16xi32>], vector<16xf32>,
      %add3A_459 = arith.constant 30 : i32
      %add3A_460 = vector.broadcast %add3A_459 : i32 to vector<16xi32>
      %add3A_461 = arith.addi %mul3A_32, %add3A_460 : vector<16xi32>
      %gather3A_462 = tpu.vector_load_idx %arg11[%add3A_461] : memref<11264xf32, #tpu.memory_space<vmem>>[vector<16xi32>], vector<16xf32>,
      %add3A_463 = arith.constant 62 : i32
      %add3A_464 = vector.broadcast %add3A_463 : i32 to vector<16xi32>
      %add3A_465 = arith.addi %mul3A_19, %add3A_464 : vector<16xi32>
      tpu.vector_store_idx %arg12[%add3A_465], %gather3A_462 : memref<65536xf32, #tpu.memory_space<vmem>>[vector<16xi32>], vector<16xf32>,
      %add3A_466 = arith.constant 31 : i32
      %add3A_467 = vector.broadcast %add3A_466 : i32 to vector<16xi32>
      %add3A_468 = arith.addi %mul3A_25, %add3A_467 : vector<16xi32>
      %gather3A_469 = tpu.vector_load_idx %arg10[%add3A_468] : memref<1024xf32, #tpu.memory_space<vmem>>[vector<16xi32>], vector<16xf32>,
      %add3A_470 = arith.constant 31 : i32
      %add3A_471 = vector.broadcast %add3A_470 : i32 to vector<16xi32>
      %add3A_472 = arith.addi %mul3A_19, %add3A_471 : vector<16xi32>
      tpu.vector_store_idx %arg12[%add3A_472], %gather3A_469 : memref<65536xf32, #tpu.memory_space<vmem>>[vector<16xi32>], vector<16xf32>,
      %add3A_473 = arith.constant 31 : i32
      %add3A_474 = vector.broadcast %add3A_473 : i32 to vector<16xi32>
      %add3A_475 = arith.addi %mul3A_32, %add3A_474 : vector<16xi32>
      %gather3A_476 = tpu.vector_load_idx %arg11[%add3A_475] : memref<11264xf32, #tpu.memory_space<vmem>>[vector<16xi32>], vector<16xf32>,
      %add3A_477 = arith.constant 63 : i32
      %add3A_478 = vector.broadcast %add3A_477 : i32 to vector<16xi32>
      %add3A_479 = arith.addi %mul3A_19, %add3A_478 : vector<16xi32>
      tpu.vector_store_idx %arg12[%add3A_479], %gather3A_476 : memref<65536xf32, #tpu.memory_space<vmem>>[vector<16xi32>], vector<16xf32>,
    }
    %scan3A_9 = arith.constant 32 : i32
    %mul3A_10 = arith.constant 128 : i32
    %mul3A_11 = arith.muli %mul3A_2, %mul3A_10 : i32
    "tpu.region"() ({
      %run_scoped3A = tpu.sem_alloc : memref<!tpu.dma_semaphore, #tpu.memory_space<semaphore_mem>>
      %dma_start3A = tpu.memref_slice %arg7[%mul3A_11] : memref<2097152xf32, #tpu.memory_space<hbm>> -> memref<65536xf32, #tpu.memory_space<hbm>>
      %dma_start3A_12 = tpu.memref_slice %arg7[%mul3A_11] : memref<2097152xf32, #tpu.memory_space<hbm>> -> memref<65536xf32, #tpu.memory_space<hbm>>
      tpu.enqueue_dma source(%arg12 : memref<65536xf32, #tpu.memory_space<vmem>>) target(%dma_start3A_12 : memref<65536xf32, #tpu.memory_space<hbm>>) target_semaphore(%run_scoped3A : memref<!tpu.dma_semaphore, #tpu.memory_space<semaphore_mem>>)
      %dma_wait3A = tpu.memref_slice %arg7[%mul3A_11] : memref<2097152xf32, #tpu.memory_space<hbm>> -> memref<65536xf32, #tpu.memory_space<hbm>>
      %dma_wait3A_13 = tpu.memref_slice %arg7[%mul3A_11] : memref<2097152xf32, #tpu.memory_space<hbm>> -> memref<65536xf32, #tpu.memory_space<hbm>>
      tpu.wait_dma2 semaphore(%run_scoped3A : memref<!tpu.dma_semaphore, #tpu.memory_space<semaphore_mem>>) src(%arg12 : memref<65536xf32, #tpu.memory_space<vmem>>) dst(%dma_wait3A_13 : memref<65536xf32, #tpu.memory_space<hbm>>)
      tpu.yield
    }) : () -> ()
    return
  }
}

module attributes {stable_mosaic.version = 14 : i64} {
  func.func @_tc_body(%arg0: i32, %arg1: memref<1024x640xi32, #tpu.memory_space<vmem>>, %arg2: memref<1024x640xi32, #tpu.memory_space<vmem>>, %arg3: memref<1024x640xi32, #tpu.memory_space<vmem>>, %arg4: memref<1024x640xi32, #tpu.memory_space<vmem>>, %arg5: memref<640x64xbf16, #tpu.memory_space<vmem>>, %arg6: memref<640x64xbf16, #tpu.memory_space<vmem>>, %arg7: memref<640x64xbf16, #tpu.memory_space<vmem>>, %arg8: memref<640x64xbf16, #tpu.memory_space<vmem>>, %arg9: memref<1024x128xf32, #tpu.memory_space<vmem>>, %arg10: memref<1024xi32, #tpu.memory_space<vmem>>, %arg11: memref<1024xi32, #tpu.memory_space<vmem>>) attributes {dimension_semantics = [#tpu.dimension_semantics<arbitrary>], iteration_bounds = array<i64: 16>, scalar_prefetch = 0 : i64, scratch_operands = 0 : i64, tpu.core_type = #tpu.core_type<tc>, window_params = [{transform_indices = @transform_0, window_bounds = array<i64: 1024, 640>}, {transform_indices = @transform_1, window_bounds = array<i64: 1024, 640>}, {transform_indices = @transform_2, window_bounds = array<i64: 1024, 640>}, {transform_indices = @transform_3, window_bounds = array<i64: 1024, 640>}, {pipeline_mode = #tpu.pipeline_mode<synchronous>, transform_indices = @transform_4, window_bounds = array<i64: 640, 64>}, {pipeline_mode = #tpu.pipeline_mode<synchronous>, transform_indices = @transform_5, window_bounds = array<i64: 640, 64>}, {pipeline_mode = #tpu.pipeline_mode<synchronous>, transform_indices = @transform_6, window_bounds = array<i64: 640, 64>}, {pipeline_mode = #tpu.pipeline_mode<synchronous>, transform_indices = @transform_7, window_bounds = array<i64: 640, 64>}, {transform_indices = @transform_8, window_bounds = array<i64: 1024, 128>}, {transform_indices = @transform_9, window_bounds = array<i64: 1024>}, {transform_indices = @transform_10, window_bounds = array<i64: 1024>}]} {
    %broadcast_in_dim3A = arith.constant 0.000000e+00 : f32
    %broadcast_in_dim3A_0 = vector.broadcast %broadcast_in_dim3A : f32 to vector<1024x64xf32>
    %get3A = arith.constant 0 : index
    %get3A_1 = arith.constant 0 : index
    %get3A_2 = vector.load %arg1[%get3A, %get3A_1] : memref<1024x640xi32, #tpu.memory_space<vmem>>, vector<1024x640xi32>
    %convert_element_type3A = arith.sitofp %get3A_2 : vector<1024x640xi32> to vector<1024x640xbf16>
    %get3A_3 = arith.constant 0 : index
    %get3A_4 = arith.constant 0 : index
    %get3A_5 = vector.load %arg5[%get3A_3, %get3A_4] : memref<640x64xbf16, #tpu.memory_space<vmem>>, vector<640x64xbf16>
    %dot_general3A = arith.constant dense<0.000000e+00> : vector<1024x64xf32>
    %dot_general3A_6 = tpu.matmul %convert_element_type3A, %get3A_5, %dot_general3A {dimension_numbers = #tpu.dot_dimension_numbers<[1], [0], [0], [1], [0, 0, 1, 1], [], []>, transpose_lhs_hint = false} : vector<1024x640xbf16>, vector<640x64xbf16>, vector<1024x64xf32> -> vector<1024x64xf32>
    %add3A = arith.addf %broadcast_in_dim3A_0, %dot_general3A_6 : vector<1024x64xf32>
    %get3A_7 = arith.constant 0 : index
    %get3A_8 = arith.constant 0 : index
    %get3A_9 = vector.load %arg2[%get3A_7, %get3A_8] : memref<1024x640xi32, #tpu.memory_space<vmem>>, vector<1024x640xi32>
    %convert_element_type3A_10 = arith.sitofp %get3A_9 : vector<1024x640xi32> to vector<1024x640xbf16>
    %get3A_11 = arith.constant 0 : index
    %get3A_12 = arith.constant 0 : index
    %get3A_13 = vector.load %arg6[%get3A_11, %get3A_12] : memref<640x64xbf16, #tpu.memory_space<vmem>>, vector<640x64xbf16>
    %dot_general3A_14 = arith.constant dense<0.000000e+00> : vector<1024x64xf32>
    %dot_general3A_15 = tpu.matmul %convert_element_type3A_10, %get3A_13, %dot_general3A_14 {dimension_numbers = #tpu.dot_dimension_numbers<[1], [0], [0], [1], [0, 0, 1, 1], [], []>, transpose_lhs_hint = false} : vector<1024x640xbf16>, vector<640x64xbf16>, vector<1024x64xf32> -> vector<1024x64xf32>
    %add3A_16 = arith.addf %add3A, %dot_general3A_15 : vector<1024x64xf32>
    %get3A_17 = arith.constant 0 : index
    %get3A_18 = arith.constant 0 : index
    %get3A_19 = vector.load %arg3[%get3A_17, %get3A_18] : memref<1024x640xi32, #tpu.memory_space<vmem>>, vector<1024x640xi32>
    %convert_element_type3A_20 = arith.sitofp %get3A_19 : vector<1024x640xi32> to vector<1024x640xbf16>
    %get3A_21 = arith.constant 0 : index
    %get3A_22 = arith.constant 0 : index
    %get3A_23 = vector.load %arg7[%get3A_21, %get3A_22] : memref<640x64xbf16, #tpu.memory_space<vmem>>, vector<640x64xbf16>
    %dot_general3A_24 = arith.constant dense<0.000000e+00> : vector<1024x64xf32>
    %dot_general3A_25 = tpu.matmul %convert_element_type3A_20, %get3A_23, %dot_general3A_24 {dimension_numbers = #tpu.dot_dimension_numbers<[1], [0], [0], [1], [0, 0, 1, 1], [], []>, transpose_lhs_hint = false} : vector<1024x640xbf16>, vector<640x64xbf16>, vector<1024x64xf32> -> vector<1024x64xf32>
    %add3A_26 = arith.addf %add3A_16, %dot_general3A_25 : vector<1024x64xf32>
    %get3A_27 = arith.constant 0 : index
    %get3A_28 = arith.constant 0 : index
    %get3A_29 = vector.load %arg4[%get3A_27, %get3A_28] : memref<1024x640xi32, #tpu.memory_space<vmem>>, vector<1024x640xi32>
    %convert_element_type3A_30 = arith.sitofp %get3A_29 : vector<1024x640xi32> to vector<1024x640xbf16>
    %get3A_31 = arith.constant 0 : index
    %get3A_32 = arith.constant 0 : index
    %get3A_33 = vector.load %arg8[%get3A_31, %get3A_32] : memref<640x64xbf16, #tpu.memory_space<vmem>>, vector<640x64xbf16>
    %dot_general3A_34 = arith.constant dense<0.000000e+00> : vector<1024x64xf32>
    %dot_general3A_35 = tpu.matmul %convert_element_type3A_30, %get3A_33, %dot_general3A_34 {dimension_numbers = #tpu.dot_dimension_numbers<[1], [0], [0], [1], [0, 0, 1, 1], [], []>, transpose_lhs_hint = false} : vector<1024x640xbf16>, vector<640x64xbf16>, vector<1024x64xf32> -> vector<1024x64xf32>
    %add3A_36 = arith.addf %add3A_26, %dot_general3A_35 : vector<1024x64xf32>
    %logistic3A = arith.negf %add3A_36 : vector<1024x64xf32>
    %logistic3A_37 = math.exp %logistic3A : vector<1024x64xf32>
    %logistic3A_38 = arith.constant 1.000000e+00 : f32
    %logistic3A_39 = vector.broadcast %logistic3A_38 : f32 to vector<1024x64xf32>
    %logistic3A_40 = arith.addf %logistic3A_39, %logistic3A_37 : vector<1024x64xf32>
    %logistic3A_41 = arith.divf %logistic3A_39, %logistic3A_40 : vector<1024x64xf32>
    %broadcast_in_dim3A_42 = arith.constant 0.000000e+00 : f32
    %broadcast_in_dim3A_43 = vector.broadcast %broadcast_in_dim3A_42 : f32 to vector<1024x64xf32>
    %concatenate3A = tpu.concatenate %broadcast_in_dim3A_43, %logistic3A_41 in 1 : vector<1024x64xf32>, vector<1024x64xf32> -> vector<1024x128xf32>
    %swap3A = arith.constant 0 : index
    %swap3A_44 = arith.constant 0 : index
    %swap3A_45 = vector.load %arg9[%swap3A, %swap3A_44] : memref<1024x128xf32, #tpu.memory_space<vmem>>, vector<1024x128xf32>
    tpu.vector_store %arg9[%swap3A, %swap3A_44], %concatenate3A {strides = array<i32>} : memref<1024x128xf32, #tpu.memory_space<vmem>>, vector<1024x128xf32>,
    %get3A_46 = arith.constant 0 : index
    %get3A_47 = arith.constant 0 : index
    %get3A_48 = vector.load %arg1[%get3A_46, %get3A_47] : memref<1024x640xi32, #tpu.memory_space<vmem>>, vector<1024x640xi32>
    %slice3A = vector.extract_strided_slice %get3A_48 {offsets = [0, 0], sizes = [1024, 1], strides = [1, 1]} : vector<1024x640xi32> to vector<1024x1xi32>
    %squeeze3A = vector.shape_cast %slice3A : vector<1024x1xi32> to vector<1024xi32>
    %swap3A_49 = arith.constant 0 : index
    %swap3A_50 = vector.load %arg10[%swap3A_49] : memref<1024xi32, #tpu.memory_space<vmem>>, vector<1024xi32>
    tpu.vector_store %arg10[%swap3A_49], %squeeze3A {strides = array<i32>} : memref<1024xi32, #tpu.memory_space<vmem>>, vector<1024xi32>,
    %slice3A_51 = vector.extract_strided_slice %get3A_48 {offsets = [0, 1], sizes = [1024, 1], strides = [1, 1]} : vector<1024x640xi32> to vector<1024x1xi32>
    %squeeze3A_52 = vector.shape_cast %slice3A_51 : vector<1024x1xi32> to vector<1024xi32>
    %swap3A_53 = arith.constant 0 : index
    %swap3A_54 = vector.load %arg11[%swap3A_53] : memref<1024xi32, #tpu.memory_space<vmem>>, vector<1024xi32>
    tpu.vector_store %arg11[%swap3A_53], %squeeze3A_52 {strides = array<i32>} : memref<1024xi32, #tpu.memory_space<vmem>>, vector<1024xi32>,
    return
  }
  func.func @transform_0(%arg0: i32) -> (i32, i32) {
    %c0_i32 = arith.constant 0 : i32
    %c0_i32_0 = arith.constant 0 : i32
    return %arg0, %c0_i32 : i32, i32
  }
  func.func @transform_1(%arg0: i32) -> (i32, i32) {
    %c1_i32 = arith.constant 1 : i32
    %c0_i32 = arith.constant 0 : i32
    return %arg0, %c1_i32 : i32, i32
  }
  func.func @transform_2(%arg0: i32) -> (i32, i32) {
    %c2_i32 = arith.constant 2 : i32
    %c0_i32 = arith.constant 0 : i32
    return %arg0, %c2_i32 : i32, i32
  }
  func.func @transform_3(%arg0: i32) -> (i32, i32) {
    %c3_i32 = arith.constant 3 : i32
    %c0_i32 = arith.constant 0 : i32
    return %arg0, %c3_i32 : i32, i32
  }
  func.func @transform_4(%arg0: i32) -> (i32, i32) {
    %c0_i32 = arith.constant 0 : i32
    %c0_i32_0 = arith.constant 0 : i32
    %c0_i32_1 = arith.constant 0 : i32
    return %c0_i32, %c0_i32_0 : i32, i32
  }
  func.func @transform_5(%arg0: i32) -> (i32, i32) {
    %c0_i32 = arith.constant 0 : i32
    %c0_i32_0 = arith.constant 0 : i32
    %c0_i32_1 = arith.constant 0 : i32
    return %c0_i32, %c0_i32_0 : i32, i32
  }
  func.func @transform_6(%arg0: i32) -> (i32, i32) {
    %c0_i32 = arith.constant 0 : i32
    %c0_i32_0 = arith.constant 0 : i32
    %c0_i32_1 = arith.constant 0 : i32
    return %c0_i32, %c0_i32_0 : i32, i32
  }
  func.func @transform_7(%arg0: i32) -> (i32, i32) {
    %c0_i32 = arith.constant 0 : i32
    %c0_i32_0 = arith.constant 0 : i32
    %c0_i32_1 = arith.constant 0 : i32
    return %c0_i32, %c0_i32_0 : i32, i32
  }
  func.func @transform_8(%arg0: i32) -> (i32, i32) {
    %c0_i32 = arith.constant 0 : i32
    %c0_i32_0 = arith.constant 0 : i32
    return %arg0, %c0_i32 : i32, i32
  }
  func.func @transform_9(%arg0: i32) -> i32 {
    %c0_i32 = arith.constant 0 : i32
    return %arg0 : i32
  }
  func.func @transform_10(%arg0: i32) -> i32 {
    %c0_i32 = arith.constant 0 : i32
    return %arg0 : i32
  }
}

</mosaic_0001>

<sc_bundles>
// kernel: kernel.4.cloned.1.call-start
scs
__scs_entry_jumppad:
0x0: {  	(pc) =	sbr.rel $0x88, $3  }
0x1: {  	(tag) =	ssettag $0x0;
	lr =	simm.s32 $0x1  }
0x2: {  	[smem:$0x3F9C] =	sst lr;
	_ =	strace $0xD0000000  }
0x3: {  	_ = 	snop  }
0x4: {  	_ = 	snop  }
0x5: {  	_ = 	snop  }
0x6: {  	_ = 	snop  }
0x7: {  	_ = 	snop  }
__scs_overlays_trampoline_lowered:
0x8: {  	[smem:$0x3FAB] =	sst s0  }
0x9: {  	[smem:$0x3FAC] =	sst s1  }
0xa: {  	[smem:$0x3FAD] =	sst s2  }
0xb: {  	[smem:$0x3FAE] =	sst s3  }
0xc: {  	[smem:$0x3FAF] =	sst s4  }
0xd: {  	[smem:$0x3FB0] =	sst s5  }
0xe: {  	[smem:$0x3FB1] =	sst s6  }
0xf: {  	[smem:$0x3FB2] =	sst s7  }
0x10: {  	[smem:$0x3FB3] =	sst s8  }
0x11: {  	[smem:$0x3FB4] =	sst s9;
	s0 =	simm.s32 @!p0 $0x0  }
0x12: {  	s1 =	sld [smem:$0x3F9A];
	s0 =	simm.s32 @p0 $0x1  }
0x13: {  	[smem:$0x3FB5] =	sst s0;
	s0 =	simm.s32 @!p1 $0x0  }
0x14: {  	s2 =	sld [smem:$0x3F99];
	s0 =	simm.s32 @p1 $0x1  }
0x15: {  	[smem:$0x3FB6] =	sst s0;
	s0 =	simm.s32 @!p2 $0x0  }
0x16: {  	s3 =	sld [smem:$0x3FDB];
	s0 =	simm.s32 @p2 $0x1  }
0x17: {  	s4 =	simm.s32 $0x1BF5;
	[smem:$0x3FB8] =	sst s0  }
0x18: {  	s0 =	sld [smem:$0x3F9B];
	_ =	swait.ge [sflag:s4], $0x0  }
0x19: {  	s7 =	sld [smem:$0x3F9C]  }
0x1a: {  	s8 =	sadd.s32 $0xFFFFE003, lr  }
0x1b: {  	s9 =	sadd.s32 $0xFFFFFEF7, lr;
	s5 =	simm.s32 $0xFFFFFFFF;
	p2 =	slt.u32 s8, $0xFFFFF086  }
0x1c: {  	p1 =	slt.u32 s9, $0xF7A;
	s5 =	simm.s32 @!p2 $0x0  }
0x1d: {  	s5 =	simm.s32 @p1 $0x1;
	p0 =	seq.s32 s7, s2  }
0x1e: {  	s7 =	smul.u32 @!p0 $0xF7A, s2;
	p2 =	seq.s32 @!p0 s5, $0x0  }
0x1f: {  	s9 =	smul.u32 $0xF7A, s1;
	s8 =	simm.s32 @!p0 $0x1BF5;
	p2 =	por !p2, p0  }
0x20: {  	[sflag:s8] =	ssyncset.s32 @!p0 $0xFFFFF086;
	s6 =	sadd.s32 @!p0 s3, s7;
	s7 =	simm.s32 @!p0 $0x108  }
0x21: {  	s3 =	sadd.s32 s3, s9;
	s6 =	sadd.s32 @!p0 $0x88, s6;
	s7 =	simm.s32 @p2 $0x1082  }
0x22: {  	[simem:s7], [sflag:s8] =	dma.local @!p0 [hbm:s6], $0xF7A  }
0x23: {  	s9 =	sor.u32 $0xD0000000, s2;
	s6 =	simm.s32 $0x108;
	_ =	swait.ge @!p0 [sflag:s8], $0x0  }
0x24: {  	s3 =	sadd.s32 $0x88, s3;
	s6 =	simm.s32 @!p1 $0x1082;
	[sflag:s4] =	ssyncset.s32 $0xFFFFF086  }
0x25: {  	[simem:s6], [sflag:s4] =	dma.local [hbm:s3], $0xF7A  }
0x26: {  	[smem:$0x3F9C] =	sst s1;
	(tag) =	ssettag s2;
	_ =	strace s9  }
0x27: {  	s1 =	sld [smem:$0x3FAC]  }
0x28: {  	s2 =	sld [smem:$0x3FAD]  }
0x29: {  	s4 =	sld [smem:$0x3FAF]  }
0x2a: {  	p0 =	seq.s32 s5, $0x0;
	s5 =	sld [smem:$0x3FB0]  }
0x2b: {  	s6 =	sld [smem:$0x3FB1]  }
0x2c: {  	s7 =	sld [smem:$0x3FB2]  }
0x2d: {  	s3 =	simm.s32 $0x108;
	s8 =	sld [smem:$0x3FB3]  }
0x2e: {  	s3 =	simm.s32 @!p0 $0x1082;
	s9 =	sld [smem:$0x3FB4]  }
0x2f: {  	lr =	sadd.s32 s0, s3;
	s0 =	sld [smem:$0x3FAB]  }
0x30: {  	s3 =	sld [smem:$0x3FAE]  }
0x31: {  	[smem:$0x3FB7] =	sst s10  }
0x32: {  	s10 =	sld [smem:$0x3FB5];
	_ =	sdelay $0x3  }
0x33: {  	p0 =	seq.s32 s10, $0x1;
	s10 =	sld [smem:$0x3FB7];
	_ =	sdelay $0x3  }
0x34: {  	[smem:$0x3FB7] =	sst s10  }
0x35: {  	s10 =	sld [smem:$0x3FB6];
	_ =	sdelay $0x3  }
0x36: {  	p1 =	seq.s32 s10, $0x1;
	s10 =	sld [smem:$0x3FB7];
	_ =	sdelay $0x3  }
0x37: {  	[smem:$0x3FB7] =	sst s10  }
0x38: {  	s10 =	sld [smem:$0x3FB8]  }
0x39: {  	_ = 	snop;
	(pc) =	sbr.ind lr, $3  }
0x3a: {  	_ = 	snop  }
0x3b: {  	_ = 	snop  }
0x3c: {  	p2 =	seq.s32 s10, $0x1;
	s10 =	sld [smem:$0x3FB7]  }
0x3d: {  	_ =	shalt  }
0x3e: {  	_ =	shalt  }
0x3f: {  	_ =	shalt  }
0x40: {  	_ =	shalt  }
0x41: {  	_ =	shalt  }
0x42: {  	_ =	shalt  }
0x43: {  	_ =	shalt  }
0x44: {  	_ =	shalt  }
0x45: {  	_ =	shalt  }
0x46: {  	_ =	shalt  }
0x47: {  	_ =	shalt  }
0x48: {  	_ =	shalt  }
0x49: {  	_ =	shalt  }
0x4a: {  	_ =	shalt  }
0x4b: {  	_ =	shalt  }
0x4c: {  	_ =	shalt  }
0x4d: {  	_ =	shalt  }
0x4e: {  	_ =	shalt  }
0x4f: {  	_ =	shalt  }
0x50: {  	_ =	shalt  }
0x51: {  	_ =	shalt  }
0x52: {  	_ =	shalt  }
0x53: {  	_ =	shalt  }
0x54: {  	_ =	shalt  }
0x55: {  	_ =	shalt  }
0x56: {  	_ =	shalt  }
0x57: {  	_ =	shalt  }
0x58: {  	_ =	shalt  }
0x59: {  	_ =	shalt  }
0x5a: {  	_ =	shalt  }
0x5b: {  	_ =	shalt  }
0x5c: {  	_ =	shalt  }
0x5d: {  	_ =	shalt  }
0x5e: {  	_ =	shalt  }
0x5f: {  	_ =	shalt  }
0x60: {  	_ =	shalt  }
0x61: {  	_ =	shalt  }
0x62: {  	_ =	shalt  }
0x63: {  	_ =	shalt  }
0x64: {  	_ =	shalt  }
0x65: {  	_ =	shalt  }
0x66: {  	_ =	shalt  }
0x67: {  	_ =	shalt  }
0x68: {  	_ =	shalt  }
0x69: {  	_ =	shalt  }
0x6a: {  	_ =	shalt  }
0x6b: {  	_ =	shalt  }
0x6c: {  	_ =	shalt  }
0x6d: {  	_ =	shalt  }
0x6e: {  	_ =	shalt  }
0x6f: {  	_ =	shalt  }
0x70: {  	_ =	shalt  }
0x71: {  	_ =	shalt  }
0x72: {  	_ =	shalt  }
0x73: {  	_ =	shalt  }
0x74: {  	_ =	shalt  }
0x75: {  	_ =	shalt  }
0x76: {  	_ =	shalt  }
0x77: {  	_ =	shalt  }
0x78: {  	_ =	shalt  }
0x79: {  	_ =	shalt  }
0x7a: {  	_ =	shalt  }
0x7b: {  	_ =	shalt  }
0x7c: {  	_ =	shalt  }
0x7d: {  	_ =	shalt  }
0x7e: {  	_ =	shalt  }
0x7f: {  	_ =	shalt  }
0x80: {  	_ =	shalt  }
0x81: {  	_ =	shalt  }
0x82: {  	_ =	shalt  }
0x83: {  	_ =	shalt  }
0x84: {  	_ =	shalt  }
0x85: {  	_ =	shalt  }
0x86: {  	_ =	shalt  }
0x87: {  	_ =	shalt  }
.Lfunc_end0:
.L_simem_size_0:
called_computation_lowered:
.L_overlay_start_0:
0x88: {  	s2 =	sld [smem:$0x3FD9]  }
0x89: {  	s3 =	sld [smem:$0x3FFE];
	_ =	sdelay $0x1  }
0x8a: {  	s1 =	srdreg.scid  }
0x8b: {  	s0 =	sand.u32 $0x1, s1  }
0x8c: {  	s17 =	sshll.u32 s0, $0xA;
	s2 =	sadd.s32 s3, s2  }
0x8d: {  	s2 =	sadd.s32 s2, s17  }
0x8e: {  	[smem:$0x3FC3] =	sst s2  }
0x8f: {  	_ = 	snop  }
0x90: {  	s2 =	sld [smem:$0x3FD0];
	(tm) =	ssettm $0x1  }
0x91: {  	s18 =	sld [smem:$0x3FFB];
	_ =	sdelay $0x3  }
0x92: {  	_ =	strace s18  }
0x93: {  	s3 =	sld [smem:$0x3FFC];
	_ =	sdelay $0x3  }
0x94: {  	_ =	strace s3  }
0x95: {  	s3 =	sld [smem:$0x3FFD];
	_ =	sdelay $0x3  }
0x96: {  	_ =	strace s3  }
0x97: {  	_ =	strace $0x8FFFFFFF  }
0x98: {  	s19 =	sld [smem:$0x3FDB];
	_ =	sdelay $0x1  }
0x99: {  	s4 =	simm.s32 $_scs_section_size  }
0x9a: {  	s5 =	simm.s32 $_size__tile_overlayer_lowered;
	s6 =	simm.s32 $_tile_overlayer_lowered  }
0x9b: {  	s22 =	simm.s32 $0x1BFF;
	s21 =	sshll.u32 s6, $0x1;
	s3 =	sadd.s32 s4, s19  }
0x9c: {  	s7 =	simm.s32 $0x0;
	s20 =	sshll.u32 s5, $0x1;
	s5 =	sadd.s32 s21, s3  }
0x9d: {  	[timem:s7], [sflag:s22] =	dma.local [hbm:s5], s20  }
0x9e: {  	_ =	swait.ge [sflag:s22], s20  }
0x9f: {  	s4 =	ssub.s32 $0x0, s20;
	[sflag:s22] =	ssyncset.done $0x0  }
0xa0: {  	[sflag:s22] =	ssyncadd.s32 s4;
	_ =	sdelay $0x1  }
0xa1: {  	s23 =	simm.s32 $0x1B8B  }
0xa2: {  	_ =	swait.ge [sflag:s23], $0x1  }
0xa3: {  	[sflag:s23] =	ssyncset.done $0x0  }
0xa4: {  	s25 =	simm.s32 $0x1B8E;
	s24 =	sld [smem:$0x3FFE];
	[sflag:s23] =	ssyncadd.s32 $0xFFFFFFFF  }
0xa5: {  	s26 =	simm.s32 $execute0_lowered;
	[smem:$0x3FD2] =	sst s25  }
0xa6: {  	s5 =	sshll.u32 s26, $0x1;
	_ =	strace $0x80000046;
	[dreg:$0x1] =	wrdreg $0xFFFFFFFF  }
0xa7: {  	s28 =	simm.s32 $_size_execute0_lowered;
	s3 =	sadd.s32 s3, s5;
	[dreg:$0x0] =	wrdreg $0x0  }
0xa8: {  	s5 =	sshll.u32 s28, $0x1;
	[dreg:$0x2] =	wrdreg s3  }
0xa9: {  	[dreg:$0x3] =	wrdreg s5  }
0xaa: {  	[dreg:$0x4] =	wrdreg $0xC0  }
0xab: {  	_ =	task [dreg:s7], $0x5FFFF  }
0xac: {  	[dreg:$0x1] =	wrdreg $0xFFFFFFFF  }
0xad: {  	[dreg:$0x0] =	wrdreg $0x60  }
0xae: {  	[dreg:$0x2] =	wrdreg s24  }
0xaf: {  	[dreg:$0x3] =	wrdreg s2  }
0xb0: {  	[dreg:$0x4] =	wrdreg $0x9  }
0xb1: {  	_ =	task.clear_ibuf [dreg:s7], $0x5FFFF;
	_ =	strace $0x90000046  }
0xb2: {  	s29 =	simm.s32 $0x9;
	_ =	strace $0x80000048  }
0xb3: {  	_ =	swait.ge [sflag:s29], $0x1  }
0xb4: {  	[sflag:s29] =	ssyncadd.s32 $0xFFFFFFFF  }
0xb5: {  	_ =	strace $0x90000048  }
0xb6: {  	_ =	sfence  }
0xb7: {  	s30 =	sld [smem:$0x0];
	_ =	sdelay $0x2  }
0xb8: {  	s31 =	sshll.u32 s1, $0xD;
	s1 =	sshrl.u32 s1, $0x2  }
0xb9: {  	s3 =	sand.u32 $0x4000, s31;
	s1 =	sadd.s32 s1, s30  }
0xba: {  	s0 =	sor.u32 s3, s0;
	s1 =	sshll.u32 s1, $0x11  }
0xbb: {  	s0 =	sor.u32 s1, s0  }
0xbc: {  	s0 =	sadd.s32 $0x8F2B, s0  }
0xbd: {  	[sflag:s0] =	ssyncadd.remote.s32 $0x1  }
0xbe: {  	_ =	sfence.sel $0xFFFF  }
0xbf: {  	[dreg:$0x0] =	wrdreg $0xFFFFFFFF;
	(pc) =	sbr.abs _section_cstart, $3  }
0xc0: {  	[dreg:$0x1] =	wrdreg $0xFFFFFFFF  }
0xc1: {  	_ =	task.clear_ibuf [dreg:s7], $0x2FFFF;
	_ =	strace $0x9FFFFFFF  }
0xc2: {  	(tm) =	ssettm $0x7FFFFFFF  }
0xc3: {  	_ =	shalt  }
tec
execute0_lowered:
.L_overlay_start_1:
0x0: {  	(tag) =	ssettag $0x1  }
0x1: {  	s5 =	rddreg [dreg:$0x0]  }
0x2: {  	s8 =	rddreg [dreg:$0x1]  }
0x3: {  	s0 =	rddreg [dreg:$0x2]  }
0x4: {  	s3 =	srdreg.scid;
	s1 =	stileid.u32;
	s2 =	simm.s32 $0x0  }
0x5: {  	s12 =	simm.s32 $0x800;
	s13 =	simm.s32 $0x3400;
	s14 =	simm.s32 $0x0  }
0x6: {  	s4 =	sand.u32 $0x1, s3;
	s30 =	sshll.u32 s1, $0x1;
	[smem:$0x7FF] =	sst s2  }
0x7: {  	s6 =	sor.u32 s4, s30;
	_ =	strace $0x80000047;
	s9 =	ssub.s32 $0x2, s4  }
0x8: {  	s4 =	sadd.s32 $0x481200, s5;
	s3 =	sshll.u32 s6, $0x6;
	s10 =	sshll.u32 s6, $0xD  }
0x9: {  	s31 =	sshrl.u32 s9, $0x1;
	s7 =	sadd.s32 s3, s5;
	s3 =	sadd.s32 $0x481800, s5  }
0xa: {  	s11 =	sadd.s32 s10, s5;
	s9 =	ssub.s32 s9, s31;
	s8 =	sadd.s32 s8, s10  }
0xb: {  	v0 =	vlaneseq.u32;
	s10 =	simm.s32 $0x1;
	s5 =	sadd.s32 $0x41200, s7;
	s6 =	sadd.s32 $0x41A00, s7  }
0xc: {  	v0 =	vmul.u32 $0x80, v0;
	s7 =	sadd.s32 $0x1200, s11;
	s9 =	smax.u32 s9, $0x1;
	s11 =	simm.s32 $0x400  }
.LBB2_1:
0xd: {  	[tilespmem:s2], [sflag:$0x1] =	stream.linear.gather [hbm4b:s5+s2], $0x200, $0x38;
	[tilespmem:$0x13400] =	vst v63  }
0xe: {  	_ =	swait.ge [sflag:s10], $0x200  }
0xf: {  	[sflag:s10] =	ssyncset.done $0x0  }
0x10: {  	s15 =	simm.s32 $0x200;
	[sflag:s10] =	ssyncadd.s32 $0xFFFFFE00  }
0x11: {  	[tilespmem:s15], [sflag:$0x1] =	stream.linear.gather [hbm4b:s6+s2], $0x200, $0x38;
	[tilespmem:$0x13400] =	vst v63  }
0x12: {  	_ =	swait.ge [sflag:s10], $0x200  }
0x13: {  	[sflag:s10] =	ssyncset.done $0x0  }
0x14: {  	[sflag:s10] =	ssyncadd.s32 $0xFFFFFE00  }
0x15: {  	[tilespmem:s11], [sflag:$0x1] =	stream.linear.gather [hbm4b:s3+s2], $0x400, $0x38;
	[tilespmem:$0x13400] =	vst v63  }
0x16: {  	_ =	swait.ge [sflag:s10], $0x400  }
0x17: {  	[sflag:s10] =	ssyncset.done $0x0  }
0x18: {  	[sflag:s10] =	ssyncadd.s32 $0xFFFFFC00  }
0x19: {  	[tilespmem:s12], [sflag:$0x1] =	stream.linear.gather [hbm4b:s4+s2], $0x2C00, $0x38;
	[tilespmem:$0x13400] =	vst v63  }
0x1a: {  	_ =	swait.ge [sflag:s10], $0x2C00  }
0x1b: {  	[sflag:s10] =	ssyncset.done $0x0  }
0x1c: {  	[sflag:s10] =	ssyncadd.s32 $0xFFFFD400  }
0x1d: {  	[tilespmem:s13], [sflag:$0x1] =	stream.linear.gather [hbm4b:s7+s2], $0x10000, $0x38;
	[tilespmem:$0x13400] =	vst v63  }
0x1e: {  	_ =	swait.ge [sflag:s10], $0x10000  }
0x1f: {  	[sflag:s10] =	ssyncset.done $0x0  }
0x20: {  	s16 =	simm.s32 $0x0;
	s17 =	simm.s32 $0x0;
	[sflag:s10] =	ssyncadd.s32 $0xFFFF0000  }
.LBB2_2:
0x21: {  	v1 =	vld [tilespmem:s16+$0x0];
	_ =	sdelay $0x4  }
0x22: {  	v2 =	vshll.u32 v1, $0x7  }
0x23: {  	v3 =	vld [tilespmem:s15+$0x0];
	_ =	sdelay $0x1  }
0x24: {  	v1 =	vmov s17  }
0x25: {  	v1 =	vshll.u32 v1, $0x7  }
0x26: {  	v1 =	vor.u32 v0, v1;
	v4 =	vld.idx.msk [tilespmem:v2+s11+$0x0], $0xffff  }
0x27: {  	v3 =	vshll.u32 v3, $0x7;
	_ =	sdelay $0x3  }
0x28: {  	[tilespmem:v1+s13+$0x0] =	vst.idx.msk $0xffff, v4  }
0x29: {  	v5 =	vor.u32 $0x20, v1;
	v4 =	vld.idx.msk [tilespmem:v3+s12+$0x0], $0xffff  }
0x2a: {  	v6 =	vor.u32 $0x1, v2;
	_ =	sdelay $0x3  }
0x2b: {  	[tilespmem:v5+s13+$0x0] =	vst.idx.msk $0xffff, v4  }
0x2c: {  	v54 =	vor.u32 $0x1, v1;
	v4 =	vld.idx.msk [tilespmem:v6+s11+$0x0], $0xffff  }
0x2d: {  	v55 =	vor.u32 $0x1, v3;
	_ =	sdelay $0x3  }
0x2e: {  	[tilespmem:v54+s13+$0x0] =	vst.idx.msk $0xffff, v4  }
0x2f: {  	v56 =	vor.u32 $0x21, v1;
	v4 =	vld.idx.msk [tilespmem:v55+s12+$0x0], $0xffff  }
0x30: {  	v57 =	vor.u32 $0x2, v2;
	_ =	sdelay $0x3  }
0x31: {  	[tilespmem:v56+s13+$0x0] =	vst.idx.msk $0xffff, v4  }
0x32: {  	v58 =	vor.u32 $0x2, v1;
	v4 =	vld.idx.msk [tilespmem:v57+s11+$0x0], $0xffff  }
0x33: {  	v59 =	vor.u32 $0x2, v3;
	_ =	sdelay $0x3  }
0x34: {  	[tilespmem:v58+s13+$0x0] =	vst.idx.msk $0xffff, v4  }
0x35: {  	v60 =	vor.u32 $0x22, v1;
	v4 =	vld.idx.msk [tilespmem:v59+s12+$0x0], $0xffff  }
0x36: {  	v61 =	vor.u32 $0x3, v2;
	_ =	sdelay $0x3  }
0x37: {  	[tilespmem:v60+s13+$0x0] =	vst.idx.msk $0xffff, v4  }
0x38: {  	v62 =	vor.u32 $0x3, v1;
	v4 =	vld.idx.msk [tilespmem:v61+s11+$0x0], $0xffff  }
0x39: {  	v63 =	vor.u32 $0x3, v3;
	_ =	sdelay $0x3  }
0x3a: {  	[tilespmem:v62+s13+$0x0] =	vst.idx.msk $0xffff, v4  }
0x3b: {  	v9 =	vor.u32 $0x23, v1;
	v4 =	vld.idx.msk [tilespmem:v63+s12+$0x0], $0xffff  }
0x3c: {  	v10 =	vor.u32 $0x4, v2;
	_ =	sdelay $0x3  }
0x3d: {  	[tilespmem:v9+s13+$0x0] =	vst.idx.msk $0xffff, v4  }
0x3e: {  	v11 =	vor.u32 $0x4, v1;
	v4 =	vld.idx.msk [tilespmem:v10+s11+$0x0], $0xffff  }
0x3f: {  	v12 =	vor.u32 $0x4, v3;
	_ =	sdelay $0x3  }
0x40: {  	[tilespmem:v11+s13+$0x0] =	vst.idx.msk $0xffff, v4  }
0x41: {  	v13 =	vor.u32 $0x24, v1;
	v4 =	vld.idx.msk [tilespmem:v12+s12+$0x0], $0xffff  }
0x42: {  	v14 =	vor.u32 $0x5, v2;
	_ =	sdelay $0x3  }
0x43: {  	[tilespmem:v13+s13+$0x0] =	vst.idx.msk $0xffff, v4  }
0x44: {  	v15 =	vor.u32 $0x5, v1;
	v4 =	vld.idx.msk [tilespmem:v14+s11+$0x0], $0xffff  }
0x45: {  	v16 =	vor.u32 $0x5, v3;
	_ =	sdelay $0x3  }
0x46: {  	[tilespmem:v15+s13+$0x0] =	vst.idx.msk $0xffff, v4  }
0x47: {  	v17 =	vor.u32 $0x25, v1;
	v4 =	vld.idx.msk [tilespmem:v16+s12+$0x0], $0xffff  }
0x48: {  	v18 =	vor.u32 $0x6, v2;
	_ =	sdelay $0x3  }
0x49: {  	[tilespmem:v17+s13+$0x0] =	vst.idx.msk $0xffff, v4  }
0x4a: {  	v19 =	vor.u32 $0x6, v1;
	v4 =	vld.idx.msk [tilespmem:v18+s11+$0x0], $0xffff  }
0x4b: {  	v20 =	vor.u32 $0x6, v3;
	_ =	sdelay $0x3  }
0x4c: {  	[tilespmem:v19+s13+$0x0] =	vst.idx.msk $0xffff, v4  }
0x4d: {  	v21 =	vor.u32 $0x26, v1;
	v4 =	vld.idx.msk [tilespmem:v20+s12+$0x0], $0xffff  }
0x4e: {  	v22 =	vor.u32 $0x7, v2;
	_ =	sdelay $0x3  }
0x4f: {  	[tilespmem:v21+s13+$0x0] =	vst.idx.msk $0xffff, v4  }
0x50: {  	v23 =	vor.u32 $0x7, v1;
	v4 =	vld.idx.msk [tilespmem:v22+s11+$0x0], $0xffff  }
0x51: {  	v24 =	vor.u32 $0x7, v3;
	_ =	sdelay $0x3  }
0x52: {  	[tilespmem:v23+s13+$0x0] =	vst.idx.msk $0xffff, v4  }
0x53: {  	v25 =	vor.u32 $0x27, v1;
	v4 =	vld.idx.msk [tilespmem:v24+s12+$0x0], $0xffff  }
0x54: {  	v26 =	vor.u32 $0x8, v2;
	_ =	sdelay $0x3  }
0x55: {  	[tilespmem:v25+s13+$0x0] =	vst.idx.msk $0xffff, v4  }
0x56: {  	v27 =	vor.u32 $0x8, v1;
	v4 =	vld.idx.msk [tilespmem:v26+s11+$0x0], $0xffff  }
0x57: {  	v28 =	vor.u32 $0x8, v3;
	_ =	sdelay $0x3  }
0x58: {  	[tilespmem:v27+s13+$0x0] =	vst.idx.msk $0xffff, v4  }
0x59: {  	v29 =	vor.u32 $0x28, v1;
	v4 =	vld.idx.msk [tilespmem:v28+s12+$0x0], $0xffff  }
0x5a: {  	v30 =	vor.u32 $0x9, v2;
	_ =	sdelay $0x3  }
0x5b: {  	[tilespmem:v29+s13+$0x0] =	vst.idx.msk $0xffff, v4  }
0x5c: {  	v31 =	vor.u32 $0x9, v1;
	v4 =	vld.idx.msk [tilespmem:v30+s11+$0x0], $0xffff  }
0x5d: {  	v32 =	vor.u32 $0x9, v3;
	_ =	sdelay $0x3  }
0x5e: {  	[tilespmem:v31+s13+$0x0] =	vst.idx.msk $0xffff, v4  }
0x5f: {  	v33 =	vor.u32 $0x29, v1;
	v4 =	vld.idx.msk [tilespmem:v32+s12+$0x0], $0xffff  }
0x60: {  	v34 =	vor.u32 $0xA, v2;
	_ =	sdelay $0x3  }
0x61: {  	[tilespmem:v33+s13+$0x0] =	vst.idx.msk $0xffff, v4  }
0x62: {  	v35 =	vor.u32 $0xA, v1;
	v4 =	vld.idx.msk [tilespmem:v34+s11+$0x0], $0xffff  }
0x63: {  	v36 =	vor.u32 $0xA, v3;
	_ =	sdelay $0x3  }
0x64: {  	[tilespmem:v35+s13+$0x0] =	vst.idx.msk $0xffff, v4  }
0x65: {  	v37 =	vor.u32 $0x2A, v1;
	v4 =	vld.idx.msk [tilespmem:v36+s12+$0x0], $0xffff  }
0x66: {  	v38 =	vor.u32 $0xB, v2;
	_ =	sdelay $0x3  }
0x67: {  	[tilespmem:v37+s13+$0x0] =	vst.idx.msk $0xffff, v4  }
0x68: {  	v39 =	vor.u32 $0xB, v1;
	v4 =	vld.idx.msk [tilespmem:v38+s11+$0x0], $0xffff  }
0x69: {  	v40 =	vor.u32 $0xB, v3;
	_ =	sdelay $0x3  }
0x6a: {  	[tilespmem:v39+s13+$0x0] =	vst.idx.msk $0xffff, v4  }
0x6b: {  	v41 =	vor.u32 $0x2B, v1;
	v4 =	vld.idx.msk [tilespmem:v40+s12+$0x0], $0xffff  }
0x6c: {  	v42 =	vor.u32 $0xC, v2;
	_ =	sdelay $0x3  }
0x6d: {  	[tilespmem:v41+s13+$0x0] =	vst.idx.msk $0xffff, v4  }
0x6e: {  	v43 =	vor.u32 $0xC, v1;
	v4 =	vld.idx.msk [tilespmem:v42+s11+$0x0], $0xffff  }
0x6f: {  	v44 =	vor.u32 $0xC, v3;
	_ =	sdelay $0x3  }
0x70: {  	[tilespmem:v43+s13+$0x0] =	vst.idx.msk $0xffff, v4  }
0x71: {  	v45 =	vor.u32 $0x2C, v1;
	v4 =	vld.idx.msk [tilespmem:v44+s12+$0x0], $0xffff  }
0x72: {  	v46 =	vor.u32 $0xD, v2;
	_ =	sdelay $0x3  }
0x73: {  	[tilespmem:v45+s13+$0x0] =	vst.idx.msk $0xffff, v4  }
0x74: {  	v47 =	vor.u32 $0xD, v1;
	v4 =	vld.idx.msk [tilespmem:v46+s11+$0x0], $0xffff  }
0x75: {  	v48 =	vor.u32 $0xD, v3;
	_ =	sdelay $0x3  }
0x76: {  	[tilespmem:v47+s13+$0x0] =	vst.idx.msk $0xffff, v4  }
0x77: {  	v49 =	vor.u32 $0x2D, v1;
	v4 =	vld.idx.msk [tilespmem:v48+s12+$0x0], $0xffff  }
0x78: {  	v50 =	vor.u32 $0xE, v2;
	_ =	sdelay $0x3  }
0x79: {  	[tilespmem:v49+s13+$0x0] =	vst.idx.msk $0xffff, v4  }
0x7a: {  	v51 =	vor.u32 $0xE, v1;
	v4 =	vld.idx.msk [tilespmem:v50+s11+$0x0], $0xffff  }
0x7b: {  	v52 =	vor.u32 $0xE, v3;
	_ =	sdelay $0x3  }
0x7c: {  	[tilespmem:v51+s13+$0x0] =	vst.idx.msk $0xffff, v4  }
0x7d: {  	v53 =	vor.u32 $0x2E, v1;
	v4 =	vld.idx.msk [tilespmem:v52+s12+$0x0], $0xffff  }
0x7e: {  	v54 =	vor.u32 $0xF, v2;
	_ =	sdelay $0x3  }
0x7f: {  	[tilespmem:v53+s13+$0x0] =	vst.idx.msk $0xffff, v4  }
0x80: {  	v55 =	vor.u32 $0xF, v1;
	v4 =	vld.idx.msk [tilespmem:v54+s11+$0x0], $0xffff  }
0x81: {  	v56 =	vor.u32 $0xF, v3;
	_ =	sdelay $0x3  }
0x82: {  	[tilespmem:v55+s13+$0x0] =	vst.idx.msk $0xffff, v4  }
0x83: {  	v57 =	vor.u32 $0x2F, v1;
	v4 =	vld.idx.msk [tilespmem:v56+s12+$0x0], $0xffff  }
0x84: {  	v58 =	vor.u32 $0x10, v2;
	_ =	sdelay $0x3  }
0x85: {  	[tilespmem:v57+s13+$0x0] =	vst.idx.msk $0xffff, v4  }
0x86: {  	v59 =	vor.u32 $0x10, v1;
	v4 =	vld.idx.msk [tilespmem:v58+s11+$0x0], $0xffff  }
0x87: {  	v60 =	vor.u32 $0x10, v3;
	_ =	sdelay $0x3  }
0x88: {  	[tilespmem:v59+s13+$0x0] =	vst.idx.msk $0xffff, v4  }
0x89: {  	v61 =	vor.u32 $0x30, v1;
	v4 =	vld.idx.msk [tilespmem:v60+s12+$0x0], $0xffff  }
0x8a: {  	v62 =	vor.u32 $0x11, v2;
	_ =	sdelay $0x3  }
0x8b: {  	[tilespmem:v61+s13+$0x0] =	vst.idx.msk $0xffff, v4  }
0x8c: {  	v63 =	vor.u32 $0x11, v1;
	v4 =	vld.idx.msk [tilespmem:v62+s11+$0x0], $0xffff  }
0x8d: {  	v9 =	vor.u32 $0x11, v3;
	_ =	sdelay $0x3  }
0x8e: {  	[tilespmem:v63+s13+$0x0] =	vst.idx.msk $0xffff, v4  }
0x8f: {  	v10 =	vor.u32 $0x31, v1;
	v4 =	vld.idx.msk [tilespmem:v9+s12+$0x0], $0xffff  }
0x90: {  	v11 =	vor.u32 $0x12, v2;
	_ =	sdelay $0x3  }
0x91: {  	[tilespmem:v10+s13+$0x0] =	vst.idx.msk $0xffff, v4  }
0x92: {  	v12 =	vor.u32 $0x12, v1;
	v4 =	vld.idx.msk [tilespmem:v11+s11+$0x0], $0xffff  }
0x93: {  	v13 =	vor.u32 $0x12, v3;
	_ =	sdelay $0x3  }
0x94: {  	[tilespmem:v12+s13+$0x0] =	vst.idx.msk $0xffff, v4  }
0x95: {  	v14 =	vor.u32 $0x32, v1;
	v4 =	vld.idx.msk [tilespmem:v13+s12+$0x0], $0xffff  }
0x96: {  	v15 =	vor.u32 $0x13, v2;
	_ =	sdelay $0x3  }
0x97: {  	[tilespmem:v14+s13+$0x0] =	vst.idx.msk $0xffff, v4  }
0x98: {  	v16 =	vor.u32 $0x13, v1;
	v4 =	vld.idx.msk [tilespmem:v15+s11+$0x0], $0xffff  }
0x99: {  	v17 =	vor.u32 $0x13, v3;
	_ =	sdelay $0x3  }
0x9a: {  	[tilespmem:v16+s13+$0x0] =	vst.idx.msk $0xffff, v4  }
0x9b: {  	v18 =	vor.u32 $0x33, v1;
	v4 =	vld.idx.msk [tilespmem:v17+s12+$0x0], $0xffff  }
0x9c: {  	v19 =	vor.u32 $0x14, v2;
	_ =	sdelay $0x3  }
0x9d: {  	[tilespmem:v18+s13+$0x0] =	vst.idx.msk $0xffff, v4  }
0x9e: {  	v20 =	vor.u32 $0x14, v1;
	v4 =	vld.idx.msk [tilespmem:v19+s11+$0x0], $0xffff  }
0x9f: {  	v21 =	vor.u32 $0x14, v3;
	_ =	sdelay $0x3  }
0xa0: {  	[tilespmem:v20+s13+$0x0] =	vst.idx.msk $0xffff, v4  }
0xa1: {  	v22 =	vor.u32 $0x34, v1;
	v4 =	vld.idx.msk [tilespmem:v21+s12+$0x0], $0xffff  }
0xa2: {  	v23 =	vor.u32 $0x15, v2;
	_ =	sdelay $0x3  }
0xa3: {  	[tilespmem:v22+s13+$0x0] =	vst.idx.msk $0xffff, v4  }
0xa4: {  	v24 =	vor.u32 $0x15, v1;
	v4 =	vld.idx.msk [tilespmem:v23+s11+$0x0], $0xffff  }
0xa5: {  	v25 =	vor.u32 $0x15, v3;
	_ =	sdelay $0x3  }
0xa6: {  	[tilespmem:v24+s13+$0x0] =	vst.idx.msk $0xffff, v4  }
0xa7: {  	v26 =	vor.u32 $0x35, v1;
	v4 =	vld.idx.msk [tilespmem:v25+s12+$0x0], $0xffff  }
0xa8: {  	v27 =	vor.u32 $0x16, v2;
	_ =	sdelay $0x3  }
0xa9: {  	[tilespmem:v26+s13+$0x0] =	vst.idx.msk $0xffff, v4  }
0xaa: {  	v28 =	vor.u32 $0x16, v1;
	v4 =	vld.idx.msk [tilespmem:v27+s11+$0x0], $0xffff  }
0xab: {  	v29 =	vor.u32 $0x16, v3;
	_ =	sdelay $0x3  }
0xac: {  	[tilespmem:v28+s13+$0x0] =	vst.idx.msk $0xffff, v4  }
0xad: {  	v30 =	vor.u32 $0x36, v1;
	v4 =	vld.idx.msk [tilespmem:v29+s12+$0x0], $0xffff  }
0xae: {  	v31 =	vor.u32 $0x17, v2;
	_ =	sdelay $0x3  }
0xaf: {  	[tilespmem:v30+s13+$0x0] =	vst.idx.msk $0xffff, v4  }
0xb0: {  	v32 =	vor.u32 $0x17, v1;
	v4 =	vld.idx.msk [tilespmem:v31+s11+$0x0], $0xffff  }
0xb1: {  	v33 =	vor.u32 $0x17, v3;
	_ =	sdelay $0x3  }
0xb2: {  	[tilespmem:v32+s13+$0x0] =	vst.idx.msk $0xffff, v4  }
0xb3: {  	v34 =	vor.u32 $0x37, v1;
	v4 =	vld.idx.msk [tilespmem:v33+s12+$0x0], $0xffff  }
0xb4: {  	v35 =	vor.u32 $0x18, v2;
	_ =	sdelay $0x3  }
0xb5: {  	[tilespmem:v34+s13+$0x0] =	vst.idx.msk $0xffff, v4  }
0xb6: {  	v36 =	vor.u32 $0x18, v1;
	v4 =	vld.idx.msk [tilespmem:v35+s11+$0x0], $0xffff  }
0xb7: {  	v37 =	vor.u32 $0x18, v3;
	_ =	sdelay $0x3  }
0xb8: {  	[tilespmem:v36+s13+$0x0] =	vst.idx.msk $0xffff, v4  }
0xb9: {  	v38 =	vor.u32 $0x38, v1;
	v4 =	vld.idx.msk [tilespmem:v37+s12+$0x0], $0xffff  }
0xba: {  	v39 =	vor.u32 $0x19, v2;
	_ =	sdelay $0x3  }
0xbb: {  	[tilespmem:v38+s13+$0x0] =	vst.idx.msk $0xffff, v4  }
0xbc: {  	v40 =	vor.u32 $0x19, v1;
	v4 =	vld.idx.msk [tilespmem:v39+s11+$0x0], $0xffff  }
0xbd: {  	v41 =	vor.u32 $0x19, v3;
	_ =	sdelay $0x3  }
0xbe: {  	[tilespmem:v40+s13+$0x0] =	vst.idx.msk $0xffff, v4  }
0xbf: {  	v42 =	vor.u32 $0x39, v1;
	v4 =	vld.idx.msk [tilespmem:v41+s12+$0x0], $0xffff  }
0xc0: {  	v43 =	vor.u32 $0x1A, v2;
	_ =	sdelay $0x3  }
0xc1: {  	[tilespmem:v42+s13+$0x0] =	vst.idx.msk $0xffff, v4  }
0xc2: {  	v44 =	vor.u32 $0x1A, v1;
	v4 =	vld.idx.msk [tilespmem:v43+s11+$0x0], $0xffff  }
0xc3: {  	v45 =	vor.u32 $0x1A, v3;
	_ =	sdelay $0x3  }
0xc4: {  	[tilespmem:v44+s13+$0x0] =	vst.idx.msk $0xffff, v4  }
0xc5: {  	v46 =	vor.u32 $0x3A, v1;
	v4 =	vld.idx.msk [tilespmem:v45+s12+$0x0], $0xffff  }
0xc6: {  	v47 =	vor.u32 $0x1B, v2;
	_ =	sdelay $0x3  }
0xc7: {  	[tilespmem:v46+s13+$0x0] =	vst.idx.msk $0xffff, v4  }
0xc8: {  	v48 =	vor.u32 $0x1B, v1;
	v4 =	vld.idx.msk [tilespmem:v47+s11+$0x0], $0xffff  }
0xc9: {  	v49 =	vor.u32 $0x1B, v3;
	_ =	sdelay $0x3  }
0xca: {  	[tilespmem:v48+s13+$0x0] =	vst.idx.msk $0xffff, v4  }
0xcb: {  	v50 =	vor.u32 $0x3B, v1;
	v4 =	vld.idx.msk [tilespmem:v49+s12+$0x0], $0xffff  }
0xcc: {  	v51 =	vor.u32 $0x1C, v2;
	_ =	sdelay $0x3  }
0xcd: {  	[tilespmem:v50+s13+$0x0] =	vst.idx.msk $0xffff, v4  }
0xce: {  	v52 =	vor.u32 $0x1C, v1;
	v4 =	vld.idx.msk [tilespmem:v51+s11+$0x0], $0xffff  }
0xcf: {  	v53 =	vor.u32 $0x1C, v3;
	_ =	sdelay $0x3  }
0xd0: {  	[tilespmem:v52+s13+$0x0] =	vst.idx.msk $0xffff, v4  }
0xd1: {  	v54 =	vor.u32 $0x3C, v1;
	v4 =	vld.idx.msk [tilespmem:v53+s12+$0x0], $0xffff  }
0xd2: {  	v55 =	vor.u32 $0x1D, v2;
	_ =	sdelay $0x3  }
0xd3: {  	[tilespmem:v54+s13+$0x0] =	vst.idx.msk $0xffff, v4  }
0xd4: {  	v56 =	vor.u32 $0x1D, v1;
	v4 =	vld.idx.msk [tilespmem:v55+s11+$0x0], $0xffff  }
0xd5: {  	v57 =	vor.u32 $0x1D, v3;
	_ =	sdelay $0x3  }
0xd6: {  	[tilespmem:v56+s13+$0x0] =	vst.idx.msk $0xffff, v4  }
0xd7: {  	v58 =	vor.u32 $0x3D, v1;
	v4 =	vld.idx.msk [tilespmem:v57+s12+$0x0], $0xffff  }
0xd8: {  	v59 =	vor.u32 $0x1E, v2;
	_ =	sdelay $0x3  }
0xd9: {  	[tilespmem:v58+s13+$0x0] =	vst.idx.msk $0xffff, v4  }
0xda: {  	v60 =	vor.u32 $0x1E, v1;
	v4 =	vld.idx.msk [tilespmem:v59+s11+$0x0], $0xffff  }
0xdb: {  	v61 =	vor.u32 $0x1E, v3;
	_ =	sdelay $0x3  }
0xdc: {  	[tilespmem:v60+s13+$0x0] =	vst.idx.msk $0xffff, v4  }
0xdd: {  	v62 =	vor.u32 $0x3E, v1;
	v4 =	vld.idx.msk [tilespmem:v61+s12+$0x0], $0xffff  }
0xde: {  	v2 =	vor.u32 $0x1F, v2;
	_ =	sdelay $0x3  }
0xdf: {  	[tilespmem:v62+s13+$0x0] =	vst.idx.msk $0xffff, v4  }
0xe0: {  	v63 =	vor.u32 $0x1F, v1;
	v2 =	vld.idx.msk [tilespmem:v2+s11+$0x0], $0xffff  }
0xe1: {  	v3 =	vor.u32 $0x1F, v3;
	_ =	sdelay $0x3  }
0xe2: {  	[tilespmem:v63+s13+$0x0] =	vst.idx.msk $0xffff, v2  }
0xe3: {  	p0 =	sne.s32 s17, $0x1F0;
	v1 =	vor.u32 $0x3F, v1;
	v2 =	vld.idx.msk [tilespmem:v3+s12+$0x0], $0xffff  }
.Ltmp0:
0xe4: {  	_ = 	snop;
	(pc) =	sbr.rel @p0 .LBB2_2-.Ltmp0, $2  }
0xe5: {  	_ =	sdelay $0x2  }
0xe6: {  	s16 =	sadd.s32 $0x10, s16;
	s15 =	sadd.s32 $0x10, s15;
	s17 =	sadd.s32 $0x10, s17;
	[tilespmem:v1+s13+$0x0] =	vst.idx.msk $0xffff, v2  }
0xe7: {  	s14 =	sadd.s32 $0x1, s14  }
0xe8: {  	p0 =	sne.s32 s14, s9  }
.Ltmp1:
0xe9: {  	_ = 	snop;
	(pc) =	sbr.rel @p0 .LBB2_1-.Ltmp1, $4  }
0xea: {  	[hbm4b:s8+s2] =	stream.linear.scatter [tilespmem:s13], [sflag:$0x1], $0x10000, $0x38;
	[tilespmem:$0x13400] =	vst v63  }
0xeb: {  	_ =	swait.ge [sflag:s10], $0x10000  }
0xec: {  	[sflag:s10] =	ssyncset.done $0x0  }
0xed: {  	[sflag:s10] =	ssyncadd.s32 $0xFFFF0000  }
0xee: {  	_ =	sfence.sel $0x180000  }
0xef: {  	[bflag:$0x0] =	sbarrier.arrive $0xFFFF  }
0xf0: {  	p0 =	sne.s32 s1, $0x0;
	_ =	strace $0x90000047  }
0xf1: {  	s0 =	sadd.s32 @!p0 $0x100000, s0;
	[bflag:$0x2] =	sbarrier.arrive $0xFFFF  }
0xf2: {  	[sflag:s0] =	ssyncadd.tile.s32 @!p0 $0x1;
	_ =	shalt  }
.Lfunc_end2:
_tile_overlayer_lowered:
.L_overlay_start_2:
0xf3: {  	(tag) =	ssettag $0x2  }
0xf4: {  	s0 =	rddreg [dreg:$0x0];
	s2 =	stileid.u32  }
0xf5: {  	s1 =	rddreg [dreg:$0x1];
	p0 =	sne.s32 s2, $0x0  }
0xf6: {  	s3 =	rddreg [dreg:$0x2];
	[bflag:$0x3] =	sbarrier.arrive $0xFFFF;
	s2 =	simm.s32 @!p0 $0x1C01  }
0xf7: {  	[timem:s3], [sflag:s2] =	dma.local @!p0 [hbm:s0], s1  }
0xf8: {  	s0 =	simm.s32 @!p0 $0x1  }
0xf9: {  	_ =	swait.ge @!p0 [sflag:s0], s1  }
0xfa: {  	s1 =	ssub.s32 @!p0 $0x0, s1;
	[sflag:s0] =	ssyncset.done @!p0 $0x0  }
0xfb: {  	[sflag:s0] =	ssyncadd.s32 @!p0 s1  }
0xfc: {  	[bflag:$0x3] =	sbarrier.arrive $0xFFFF  }
0xfd: {  	_ =	shalt  }

</sc_bundles>
